<compile_context>
chip_gen: v7x
topology: tpu7x:2x2x1
jax: 0.10.2.dev20260603
libtpu: 0.0.44.dev20260713+nightly
codegen_flags: <defaults>
</compile_context>

<pallas_src>
import functools

import jax
import jax.numpy as jnp
from jax import lax
from jax.experimental import pallas as pl
from jax.experimental.pallas import tpu as pltpu
from jax.experimental.pallas import tpu_sc as plsc

NC = 2
NS = 16
L = 16
NW = NC * NS

CH = 4
W = 128
NBUF = 3


def _make_kernel(B, D):
    BPW = B // NW
    NCHUNK = BPW // CH

    def body(uidx_hbm, iidx_hbm, uft_hbm, ift_hbm, out_hbm,
             uidx_v, iidx_v, usmem, ismem, uwin, iwin, out_v, sems):
        wid = lax.axis_index("s") * NC + lax.axis_index("c")
        pltpu.sync_copy(uidx_hbm.at[wid], uidx_v)
        pltpu.sync_copy(iidx_hbm.at[wid], iidx_v)
        @pl.loop(0, BPW // L)
        def _(g):
            uvec = uidx_v[pl.ds(g * L, L)]
            ivec = iidx_v[pl.ds(g * L, L)]
            for j in range(L):
                usmem[g * L + j] = uvec[j]
                ismem[g * L + j] = ivec[j]

        def fire(c):
            b = lax.rem(c, NBUF)

            @pl.loop(0, CH)
            def _(j):
                u = usmem[c * CH + j] - 1
                i = ismem[c * CH + j] - 1
                wu = pl.multiple_of(u - lax.rem(u, W), W)
                wi = pl.multiple_of(i - lax.rem(i, W), W)
                pltpu.async_copy(
                    uft_hbm.at[:, pl.ds(wu, W)], uwin.at[b, j], sems.at[b])
                pltpu.async_copy(
                    ift_hbm.at[:, pl.ds(wi, W)], iwin.at[b, j], sems.at[b])

        def shuffle(x, perm):
            return lax.gather(
                x, perm[:, None],
                dimension_numbers=lax.GatherDimensionNumbers(
                    offset_dims=(), collapsed_slice_dims=(0,),
                    start_index_map=(0,)),
                slice_sizes=(1,),
                mode=lax.GatherScatterMode.PROMISE_IN_BOUNDS)

        lanes = lax.iota(jnp.int32, L)
        lk = lanes >> 2
        fq = lanes & 3
        perm1 = lanes ^ 1
        perm2 = lanes ^ 2
        omask = fq == 0

        for p0 in range(NBUF - 1):
            fire(p0)

        @pl.loop(0, NCHUNK)
        def _(c):
            @pl.when(c < NCHUNK - (NBUF - 1))
            def _():
                fire(c + NBUF - 1)

            b = lax.rem(c, NBUF)

            @pl.loop(0, CH)
            def _(j):
                pltpu.make_async_copy(
                    uft_hbm.at[:, pl.ds(0, W)], uwin.at[b, j], sems.at[b]
                ).wait()
                pltpu.make_async_copy(
                    ift_hbm.at[:, pl.ds(0, W)], iwin.at[b, j], sems.at[b]
                ).wait()

            b_vec = jnp.full((L,), b, jnp.int32)
            look = c * CH + lk
            u_vec = plsc.load_gather(uidx_v, [look]) - 1
            i_vec = plsc.load_gather(iidx_v, [look]) - 1
            o_u = u_vec & (W - 1)
            o_i = i_vec & (W - 1)
            acc = jnp.zeros((L,), jnp.float32)
            for q in range(D // 4):
                f_vec = q * 4 + fq
                gu = plsc.load_gather(uwin, [b_vec, lk, f_vec, o_u])
                gi = plsc.load_gather(iwin, [b_vec, lk, f_vec, o_i])
                acc = acc + gu * gi
            t = acc + shuffle(acc, perm1)
            t = t + shuffle(t, perm2)
            plsc.store_scatter(out_v, [look], t, mask=omask)

        pltpu.sync_copy(out_v, out_hbm.at[pl.ds(wid * BPW, BPW)])

    return pl.kernel(
        body,
        out_type=jax.ShapeDtypeStruct((B,), jnp.float32),
        mesh=plsc.VectorSubcoreMesh(
            core_axis_name="c", subcore_axis_name="s",
            num_cores=NC, num_subcores=NS),
        compiler_params=pltpu.CompilerParams(
            needs_layout_passes=False, use_tc_tiling_on_sc=True),
        scratch_types=[
            pltpu.VMEM((BPW,), jnp.int32),
            pltpu.VMEM((BPW,), jnp.int32),
            pltpu.SMEM((BPW,), jnp.int32),
            pltpu.SMEM((BPW,), jnp.int32),
            pltpu.VMEM((NBUF, CH, D, W), jnp.float32),
            pltpu.VMEM((NBUF, CH, D, W), jnp.float32),
            pltpu.VMEM((BPW,), jnp.float32),
            pltpu.SemaphoreType.DMA((NBUF,)),
        ],
    )


@jax.jit
def kernel(data, user_factors, item_factors):
    B = data.shape[0]
    D = user_factors.shape[1]
    assert B % (NW * CH) == 0 and D % L == 0
    users = data[:, 0].astype(jnp.int32).reshape(NW, B // NW)
    items = data[:, 1].astype(jnp.int32).reshape(NW, B // NW)
    return _make_kernel(B, D)(users, items, user_factors.T, item_factors.T)

# --- scband reference (transcript-rebuilt; emitter-appended) ---
"""Pipeline reference for scband-matrix-factorization-29703993819868 (READ-ONLY COPY).

The authoritative reference and input builder live on the scoring server;
editing this copy changes nothing except your own understanding.
"""

import jax, jax.numpy as jnp
import numpy as np

N_USERS = 1000000
N_ITEMS = 1000000
N_FACTORS = 32
BATCH = 16384

def setup_inputs(seed: int = 0) -> dict:
    key = jax.random.key(seed)
    k_data, k_u, k_i = jax.random.split(key, 3)
    # ids are 1-indexed in the original model (it subtracts 1), so sample in [1, N]
    users = jax.random.randint(jax.random.fold_in(k_data, 0), (BATCH, 1), 1, N_USERS + 1, dtype=jnp.int64 if jax.config.jax_enable_x64 else jnp.int32)
    items = jax.random.randint(jax.random.fold_in(k_data, 1), (BATCH, 1), 1, N_ITEMS + 1, dtype=jnp.int64 if jax.config.jax_enable_x64 else jnp.int32)
    data = jnp.concatenate([users, items], axis=1)
    user_factors = jax.random.uniform(k_u, (N_USERS, N_FACTORS), dtype=jnp.float32, minval=-0.05, maxval=0.05)
    item_factors = jax.random.uniform(k_i, (N_ITEMS, N_FACTORS), dtype=jnp.float32, minval=-0.05, maxval=0.05)
    return {"data": data, "user_factors": user_factors, "item_factors": item_factors}

def reference(data, user_factors, item_factors):
    users = data[:, 0].astype(jnp.int32) - 1
    items = data[:, 1].astype(jnp.int32) - 1
    u = jnp.take(user_factors, users, axis=0)
    it = jnp.take(item_factors, items, axis=0)
    x = jnp.sum(u * it, axis=1, keepdims=True)
    return jnp.squeeze(x, axis=1)

if __name__ == "__main__":
    import jax
    _d = setup_inputs()
    print(jax.jit(kernel)(*tuple(_d.values())))

</pallas_src>

<mosaic_0001>
#map = affine_map<(d0, d1) -> (0, 0)>
#map1 = affine_map<(d0, d1) -> (0)>
module attributes {stable_mosaic.version = 14 : i64} {
  func.func @body(%arg0: i32, %arg1: i32, %arg2: memref<32x512xi32, #tpu.memory_space<hbm>>, %arg3: memref<32x512xi32, #tpu.memory_space<hbm>>, %arg4: memref<32x1000000xf32, #tpu.memory_space<hbm>>, %arg5: memref<32x1000000xf32, #tpu.memory_space<hbm>>, %arg6: memref<16384xf32, #tpu.memory_space<hbm>>, %arg7: memref<512xi32, #tpu.memory_space<vmem>>, %arg8: memref<512xi32, #tpu.memory_space<vmem>>, %arg9: memref<512xi32, #tpu.memory_space<smem>>, %arg10: memref<512xi32, #tpu.memory_space<smem>>, %arg11: memref<3x4x32x128xf32, #tpu.memory_space<vmem>>, %arg12: memref<3x4x32x128xf32, #tpu.memory_space<vmem>>, %arg13: memref<512xf32, #tpu.memory_space<vmem>>, %arg14: memref<3x!tpu.dma_semaphore, #tpu.memory_space<semaphore_mem>>) attributes {dimension_semantics = [#tpu.dimension_semantics<core_parallel>, #tpu.dimension_semantics<subcore_parallel>], iteration_bounds = array<i64: 2, 16>, scalar_prefetch = 0 : i64, scratch_operands = 8 : i64, tpu.core_type = #tpu.core_type<sc_vector_subcore>, window_params = [{transform_indices = #map}, {transform_indices = #map}, {transform_indices = #map}, {transform_indices = #map}, {transform_indices = #map1}]} {
    %mul3A = arith.constant 2 : i32
    %mul3A_0 = arith.muli %arg1, %mul3A : i32
    %add3A = arith.addi %mul3A_0, %arg0 : i32
    "tpu.region"() ({
      %run_scoped3A = tpu.sem_alloc : memref<!tpu.dma_semaphore, #tpu.memory_space<semaphore_mem>>
      %dma_start3A = arith.constant 0 : i32
      %dma_start3A_38 = tpu.memref_slice %arg2[%add3A, %dma_start3A] : memref<32x512xi32, #tpu.memory_space<hbm>> -> memref<1x512xi32, #tpu.memory_space<hbm>>
      %dma_start3A_39 = tpu.memref_squeeze %dma_start3A_38 : memref<1x512xi32, #tpu.memory_space<hbm>> -> memref<512xi32, #tpu.memory_space<hbm>>
      %dma_start3A_40 = arith.constant 0 : i32
      %dma_start3A_41 = tpu.memref_slice %arg2[%add3A, %dma_start3A_40] : memref<32x512xi32, #tpu.memory_space<hbm>> -> memref<1x512xi32, #tpu.memory_space<hbm>>
      %dma_start3A_42 = tpu.memref_squeeze %dma_start3A_41 : memref<1x512xi32, #tpu.memory_space<hbm>> -> memref<512xi32, #tpu.memory_space<hbm>>
      tpu.enqueue_dma source(%dma_start3A_42 : memref<512xi32, #tpu.memory_space<hbm>>) target(%arg7 : memref<512xi32, #tpu.memory_space<vmem>>) target_semaphore(%run_scoped3A : memref<!tpu.dma_semaphore, #tpu.memory_space<semaphore_mem>>)
      %dma_wait3A = arith.constant 0 : i32
      %dma_wait3A_43 = tpu.memref_slice %arg2[%add3A, %dma_wait3A] : memref<32x512xi32, #tpu.memory_space<hbm>> -> memref<1x512xi32, #tpu.memory_space<hbm>>
      %dma_wait3A_44 = tpu.memref_squeeze %dma_wait3A_43 : memref<1x512xi32, #tpu.memory_space<hbm>> -> memref<512xi32, #tpu.memory_space<hbm>>
      %dma_wait3A_45 = arith.constant 0 : i32
      %dma_wait3A_46 = tpu.memref_slice %arg2[%add3A, %dma_wait3A_45] : memref<32x512xi32, #tpu.memory_space<hbm>> -> memref<1x512xi32, #tpu.memory_space<hbm>>
      %dma_wait3A_47 = tpu.memref_squeeze %dma_wait3A_46 : memref<1x512xi32, #tpu.memory_space<hbm>> -> memref<512xi32, #tpu.memory_space<hbm>>
      tpu.wait_dma2 semaphore(%run_scoped3A : memref<!tpu.dma_semaphore, #tpu.memory_space<semaphore_mem>>) src(%dma_wait3A_47 : memref<512xi32, #tpu.memory_space<hbm>>) dst(%arg7 : memref<512xi32, #tpu.memory_space<vmem>>)
      tpu.yield
    }) : () -> ()
    "tpu.region"() ({
      %run_scoped3A = tpu.sem_alloc : memref<!tpu.dma_semaphore, #tpu.memory_space<semaphore_mem>>
      %dma_start3A = arith.constant 0 : i32
      %dma_start3A_38 = tpu.memref_slice %arg3[%add3A, %dma_start3A] : memref<32x512xi32, #tpu.memory_space<hbm>> -> memref<1x512xi32, #tpu.memory_space<hbm>>
      %dma_start3A_39 = tpu.memref_squeeze %dma_start3A_38 : memref<1x512xi32, #tpu.memory_space<hbm>> -> memref<512xi32, #tpu.memory_space<hbm>>
      %dma_start3A_40 = arith.constant 0 : i32
      %dma_start3A_41 = tpu.memref_slice %arg3[%add3A, %dma_start3A_40] : memref<32x512xi32, #tpu.memory_space<hbm>> -> memref<1x512xi32, #tpu.memory_space<hbm>>
      %dma_start3A_42 = tpu.memref_squeeze %dma_start3A_41 : memref<1x512xi32, #tpu.memory_space<hbm>> -> memref<512xi32, #tpu.memory_space<hbm>>
      tpu.enqueue_dma source(%dma_start3A_42 : memref<512xi32, #tpu.memory_space<hbm>>) target(%arg8 : memref<512xi32, #tpu.memory_space<vmem>>) target_semaphore(%run_scoped3A : memref<!tpu.dma_semaphore, #tpu.memory_space<semaphore_mem>>)
      %dma_wait3A = arith.constant 0 : i32
      %dma_wait3A_43 = tpu.memref_slice %arg3[%add3A, %dma_wait3A] : memref<32x512xi32, #tpu.memory_space<hbm>> -> memref<1x512xi32, #tpu.memory_space<hbm>>
      %dma_wait3A_44 = tpu.memref_squeeze %dma_wait3A_43 : memref<1x512xi32, #tpu.memory_space<hbm>> -> memref<512xi32, #tpu.memory_space<hbm>>
      %dma_wait3A_45 = arith.constant 0 : i32
      %dma_wait3A_46 = tpu.memref_slice %arg3[%add3A, %dma_wait3A_45] : memref<32x512xi32, #tpu.memory_space<hbm>> -> memref<1x512xi32, #tpu.memory_space<hbm>>
      %dma_wait3A_47 = tpu.memref_squeeze %dma_wait3A_46 : memref<1x512xi32, #tpu.memory_space<hbm>> -> memref<512xi32, #tpu.memory_space<hbm>>
      tpu.wait_dma2 semaphore(%run_scoped3A : memref<!tpu.dma_semaphore, #tpu.memory_space<semaphore_mem>>) src(%dma_wait3A_47 : memref<512xi32, #tpu.memory_space<hbm>>) dst(%arg8 : memref<512xi32, #tpu.memory_space<vmem>>)
      tpu.yield
    }) : () -> ()
    %scan3A = arith.constant 0 : i32
    %scan3A_1 = arith.constant 32 : i32
    %scan3A_2 = arith.addi %scan3A, %scan3A_1 : i32
    %scan3A_3 = arith.constant 1 : i32
    scf.for %scan3A_38 = %scan3A to %scan3A_2 step %scan3A_3  : i32 {
      %mul3A_39 = arith.constant 1 : i32
      %mul3A_40 = arith.muli %scan3A_38, %mul3A_39 : i32
      %add3A_41 = arith.constant 0 : i32
      %add3A_42 = arith.addi %add3A_41, %mul3A_40 : i32
      %mul3A_43 = arith.constant 16 : i32
      %mul3A_44 = arith.muli %add3A_42, %mul3A_43 : i32
      %get3A = arith.index_cast %mul3A_44 : i32 to index
      %get3A_45 = tpu.vector_load %arg7[%get3A] {strides = array<i32>} : memref<512xi32, #tpu.memory_space<vmem>>, vector<16xi32>,
      %mul3A_46 = arith.constant 16 : i32
      %mul3A_47 = arith.muli %add3A_42, %mul3A_46 : i32
      %get3A_48 = arith.index_cast %mul3A_47 : i32 to index
      %get3A_49 = tpu.vector_load %arg8[%get3A_48] {strides = array<i32>} : memref<512xi32, #tpu.memory_space<vmem>>, vector<16xi32>,
      %slice3A = vector.extract_strided_slice %get3A_45 {offsets = [0], sizes = [1], strides = [1]} : vector<16xi32> to vector<1xi32>
      %squeeze3A = vector.extract %slice3A[0] : i32 from vector<1xi32>
      %mul3A_50 = arith.constant 16 : i32
      %mul3A_51 = arith.muli %add3A_42, %mul3A_50 : i32
      %add3A_52 = arith.constant 0 : i32
      %add3A_53 = arith.addi %mul3A_51, %add3A_52 : i32
      %swap3A = arith.index_cast %add3A_53 : i32 to index
      %swap3A_54 = memref.load %arg9[%swap3A] : memref<512xi32, #tpu.memory_space<smem>>
      memref.store %squeeze3A, %arg9[%swap3A] : memref<512xi32, #tpu.memory_space<smem>>
      %slice3A_55 = vector.extract_strided_slice %get3A_49 {offsets = [0], sizes = [1], strides = [1]} : vector<16xi32> to vector<1xi32>
      %squeeze3A_56 = vector.extract %slice3A_55[0] : i32 from vector<1xi32>
      %mul3A_57 = arith.constant 16 : i32
      %mul3A_58 = arith.muli %add3A_42, %mul3A_57 : i32
      %add3A_59 = arith.constant 0 : i32
      %add3A_60 = arith.addi %mul3A_58, %add3A_59 : i32
      %swap3A_61 = arith.index_cast %add3A_60 : i32 to index
      %swap3A_62 = memref.load %arg10[%swap3A_61] : memref<512xi32, #tpu.memory_space<smem>>
      memref.store %squeeze3A_56, %arg10[%swap3A_61] : memref<512xi32, #tpu.memory_space<smem>>
      %slice3A_63 = vector.extract_strided_slice %get3A_45 {offsets = [1], sizes = [1], strides = [1]} : vector<16xi32> to vector<1xi32>
      %squeeze3A_64 = vector.extract %slice3A_63[0] : i32 from vector<1xi32>
      %mul3A_65 = arith.constant 16 : i32
      %mul3A_66 = arith.muli %add3A_42, %mul3A_65 : i32
      %add3A_67 = arith.constant 1 : i32
      %add3A_68 = arith.addi %mul3A_66, %add3A_67 : i32
      %swap3A_69 = arith.index_cast %add3A_68 : i32 to index
      %swap3A_70 = memref.load %arg9[%swap3A_69] : memref<512xi32, #tpu.memory_space<smem>>
      memref.store %squeeze3A_64, %arg9[%swap3A_69] : memref<512xi32, #tpu.memory_space<smem>>
      %slice3A_71 = vector.extract_strided_slice %get3A_49 {offsets = [1], sizes = [1], strides = [1]} : vector<16xi32> to vector<1xi32>
      %squeeze3A_72 = vector.extract %slice3A_71[0] : i32 from vector<1xi32>
      %mul3A_73 = arith.constant 16 : i32
      %mul3A_74 = arith.muli %add3A_42, %mul3A_73 : i32
      %add3A_75 = arith.constant 1 : i32
      %add3A_76 = arith.addi %mul3A_74, %add3A_75 : i32
      %swap3A_77 = arith.index_cast %add3A_76 : i32 to index
      %swap3A_78 = memref.load %arg10[%swap3A_77] : memref<512xi32, #tpu.memory_space<smem>>
      memref.store %squeeze3A_72, %arg10[%swap3A_77] : memref<512xi32, #tpu.memory_space<smem>>
      %slice3A_79 = vector.extract_strided_slice %get3A_45 {offsets = [2], sizes = [1], strides = [1]} : vector<16xi32> to vector<1xi32>
      %squeeze3A_80 = vector.extract %slice3A_79[0] : i32 from vector<1xi32>
      %mul3A_81 = arith.constant 16 : i32
      %mul3A_82 = arith.muli %add3A_42, %mul3A_81 : i32
      %add3A_83 = arith.constant 2 : i32
      %add3A_84 = arith.addi %mul3A_82, %add3A_83 : i32
      %swap3A_85 = arith.index_cast %add3A_84 : i32 to index
      %swap3A_86 = memref.load %arg9[%swap3A_85] : memref<512xi32, #tpu.memory_space<smem>>
      memref.store %squeeze3A_80, %arg9[%swap3A_85] : memref<512xi32, #tpu.memory_space<smem>>
      %slice3A_87 = vector.extract_strided_slice %get3A_49 {offsets = [2], sizes = [1], strides = [1]} : vector<16xi32> to vector<1xi32>
      %squeeze3A_88 = vector.extract %slice3A_87[0] : i32 from vector<1xi32>
      %mul3A_89 = arith.constant 16 : i32
      %mul3A_90 = arith.muli %add3A_42, %mul3A_89 : i32
      %add3A_91 = arith.constant 2 : i32
      %add3A_92 = arith.addi %mul3A_90, %add3A_91 : i32
      %swap3A_93 = arith.index_cast %add3A_92 : i32 to index
      %swap3A_94 = memref.load %arg10[%swap3A_93] : memref<512xi32, #tpu.memory_space<smem>>
      memref.store %squeeze3A_88, %arg10[%swap3A_93] : memref<512xi32, #tpu.memory_space<smem>>
      %slice3A_95 = vector.extract_strided_slice %get3A_45 {offsets = [3], sizes = [1], strides = [1]} : vector<16xi32> to vector<1xi32>
      %squeeze3A_96 = vector.extract %slice3A_95[0] : i32 from vector<1xi32>
      %mul3A_97 = arith.constant 16 : i32
      %mul3A_98 = arith.muli %add3A_42, %mul3A_97 : i32
      %add3A_99 = arith.constant 3 : i32
      %add3A_100 = arith.addi %mul3A_98, %add3A_99 : i32
      %swap3A_101 = arith.index_cast %add3A_100 : i32 to index
      %swap3A_102 = memref.load %arg9[%swap3A_101] : memref<512xi32, #tpu.memory_space<smem>>
      memref.store %squeeze3A_96, %arg9[%swap3A_101] : memref<512xi32, #tpu.memory_space<smem>>
      %slice3A_103 = vector.extract_strided_slice %get3A_49 {offsets = [3], sizes = [1], strides = [1]} : vector<16xi32> to vector<1xi32>
      %squeeze3A_104 = vector.extract %slice3A_103[0] : i32 from vector<1xi32>
      %mul3A_105 = arith.constant 16 : i32
      %mul3A_106 = arith.muli %add3A_42, %mul3A_105 : i32
      %add3A_107 = arith.constant 3 : i32
      %add3A_108 = arith.addi %mul3A_106, %add3A_107 : i32
      %swap3A_109 = arith.index_cast %add3A_108 : i32 to index
      %swap3A_110 = memref.load %arg10[%swap3A_109] : memref<512xi32, #tpu.memory_space<smem>>
      memref.store %squeeze3A_104, %arg10[%swap3A_109] : memref<512xi32, #tpu.memory_space<smem>>
      %slice3A_111 = vector.extract_strided_slice %get3A_45 {offsets = [4], sizes = [1], strides = [1]} : vector<16xi32> to vector<1xi32>
      %squeeze3A_112 = vector.extract %slice3A_111[0] : i32 from vector<1xi32>
      %mul3A_113 = arith.constant 16 : i32
      %mul3A_114 = arith.muli %add3A_42, %mul3A_113 : i32
      %add3A_115 = arith.constant 4 : i32
      %add3A_116 = arith.addi %mul3A_114, %add3A_115 : i32
      %swap3A_117 = arith.index_cast %add3A_116 : i32 to index
      %swap3A_118 = memref.load %arg9[%swap3A_117] : memref<512xi32, #tpu.memory_space<smem>>
      memref.store %squeeze3A_112, %arg9[%swap3A_117] : memref<512xi32, #tpu.memory_space<smem>>
      %slice3A_119 = vector.extract_strided_slice %get3A_49 {offsets = [4], sizes = [1], strides = [1]} : vector<16xi32> to vector<1xi32>
      %squeeze3A_120 = vector.extract %slice3A_119[0] : i32 from vector<1xi32>
      %mul3A_121 = arith.constant 16 : i32
      %mul3A_122 = arith.muli %add3A_42, %mul3A_121 : i32
      %add3A_123 = arith.constant 4 : i32
      %add3A_124 = arith.addi %mul3A_122, %add3A_123 : i32
      %swap3A_125 = arith.index_cast %add3A_124 : i32 to index
      %swap3A_126 = memref.load %arg10[%swap3A_125] : memref<512xi32, #tpu.memory_space<smem>>
      memref.store %squeeze3A_120, %arg10[%swap3A_125] : memref<512xi32, #tpu.memory_space<smem>>
      %slice3A_127 = vector.extract_strided_slice %get3A_45 {offsets = [5], sizes = [1], strides = [1]} : vector<16xi32> to vector<1xi32>
      %squeeze3A_128 = vector.extract %slice3A_127[0] : i32 from vector<1xi32>
      %mul3A_129 = arith.constant 16 : i32
      %mul3A_130 = arith.muli %add3A_42, %mul3A_129 : i32
      %add3A_131 = arith.constant 5 : i32
      %add3A_132 = arith.addi %mul3A_130, %add3A_131 : i32
      %swap3A_133 = arith.index_cast %add3A_132 : i32 to index
      %swap3A_134 = memref.load %arg9[%swap3A_133] : memref<512xi32, #tpu.memory_space<smem>>
      memref.store %squeeze3A_128, %arg9[%swap3A_133] : memref<512xi32, #tpu.memory_space<smem>>
      %slice3A_135 = vector.extract_strided_slice %get3A_49 {offsets = [5], sizes = [1], strides = [1]} : vector<16xi32> to vector<1xi32>
      %squeeze3A_136 = vector.extract %slice3A_135[0] : i32 from vector<1xi32>
      %mul3A_137 = arith.constant 16 : i32
      %mul3A_138 = arith.muli %add3A_42, %mul3A_137 : i32
      %add3A_139 = arith.constant 5 : i32
      %add3A_140 = arith.addi %mul3A_138, %add3A_139 : i32
      %swap3A_141 = arith.index_cast %add3A_140 : i32 to index
      %swap3A_142 = memref.load %arg10[%swap3A_141] : memref<512xi32, #tpu.memory_space<smem>>
      memref.store %squeeze3A_136, %arg10[%swap3A_141] : memref<512xi32, #tpu.memory_space<smem>>
      %slice3A_143 = vector.extract_strided_slice %get3A_45 {offsets = [6], sizes = [1], strides = [1]} : vector<16xi32> to vector<1xi32>
      %squeeze3A_144 = vector.extract %slice3A_143[0] : i32 from vector<1xi32>
      %mul3A_145 = arith.constant 16 : i32
      %mul3A_146 = arith.muli %add3A_42, %mul3A_145 : i32
      %add3A_147 = arith.constant 6 : i32
      %add3A_148 = arith.addi %mul3A_146, %add3A_147 : i32
      %swap3A_149 = arith.index_cast %add3A_148 : i32 to index
      %swap3A_150 = memref.load %arg9[%swap3A_149] : memref<512xi32, #tpu.memory_space<smem>>
      memref.store %squeeze3A_144, %arg9[%swap3A_149] : memref<512xi32, #tpu.memory_space<smem>>
      %slice3A_151 = vector.extract_strided_slice %get3A_49 {offsets = [6], sizes = [1], strides = [1]} : vector<16xi32> to vector<1xi32>
      %squeeze3A_152 = vector.extract %slice3A_151[0] : i32 from vector<1xi32>
      %mul3A_153 = arith.constant 16 : i32
      %mul3A_154 = arith.muli %add3A_42, %mul3A_153 : i32
      %add3A_155 = arith.constant 6 : i32
      %add3A_156 = arith.addi %mul3A_154, %add3A_155 : i32
      %swap3A_157 = arith.index_cast %add3A_156 : i32 to index
      %swap3A_158 = memref.load %arg10[%swap3A_157] : memref<512xi32, #tpu.memory_space<smem>>
      memref.store %squeeze3A_152, %arg10[%swap3A_157] : memref<512xi32, #tpu.memory_space<smem>>
      %slice3A_159 = vector.extract_strided_slice %get3A_45 {offsets = [7], sizes = [1], strides = [1]} : vector<16xi32> to vector<1xi32>
      %squeeze3A_160 = vector.extract %slice3A_159[0] : i32 from vector<1xi32>
      %mul3A_161 = arith.constant 16 : i32
      %mul3A_162 = arith.muli %add3A_42, %mul3A_161 : i32
      %add3A_163 = arith.constant 7 : i32
      %add3A_164 = arith.addi %mul3A_162, %add3A_163 : i32
      %swap3A_165 = arith.index_cast %add3A_164 : i32 to index
      %swap3A_166 = memref.load %arg9[%swap3A_165] : memref<512xi32, #tpu.memory_space<smem>>
      memref.store %squeeze3A_160, %arg9[%swap3A_165] : memref<512xi32, #tpu.memory_space<smem>>
      %slice3A_167 = vector.extract_strided_slice %get3A_49 {offsets = [7], sizes = [1], strides = [1]} : vector<16xi32> to vector<1xi32>
      %squeeze3A_168 = vector.extract %slice3A_167[0] : i32 from vector<1xi32>
      %mul3A_169 = arith.constant 16 : i32
      %mul3A_170 = arith.muli %add3A_42, %mul3A_169 : i32
      %add3A_171 = arith.constant 7 : i32
      %add3A_172 = arith.addi %mul3A_170, %add3A_171 : i32
      %swap3A_173 = arith.index_cast %add3A_172 : i32 to index
      %swap3A_174 = memref.load %arg10[%swap3A_173] : memref<512xi32, #tpu.memory_space<smem>>
      memref.store %squeeze3A_168, %arg10[%swap3A_173] : memref<512xi32, #tpu.memory_space<smem>>
      %slice3A_175 = vector.extract_strided_slice %get3A_45 {offsets = [8], sizes = [1], strides = [1]} : vector<16xi32> to vector<1xi32>
      %squeeze3A_176 = vector.extract %slice3A_175[0] : i32 from vector<1xi32>
      %mul3A_177 = arith.constant 16 : i32
      %mul3A_178 = arith.muli %add3A_42, %mul3A_177 : i32
      %add3A_179 = arith.constant 8 : i32
      %add3A_180 = arith.addi %mul3A_178, %add3A_179 : i32
      %swap3A_181 = arith.index_cast %add3A_180 : i32 to index
      %swap3A_182 = memref.load %arg9[%swap3A_181] : memref<512xi32, #tpu.memory_space<smem>>
      memref.store %squeeze3A_176, %arg9[%swap3A_181] : memref<512xi32, #tpu.memory_space<smem>>
      %slice3A_183 = vector.extract_strided_slice %get3A_49 {offsets = [8], sizes = [1], strides = [1]} : vector<16xi32> to vector<1xi32>
      %squeeze3A_184 = vector.extract %slice3A_183[0] : i32 from vector<1xi32>
      %mul3A_185 = arith.constant 16 : i32
      %mul3A_186 = arith.muli %add3A_42, %mul3A_185 : i32
      %add3A_187 = arith.constant 8 : i32
      %add3A_188 = arith.addi %mul3A_186, %add3A_187 : i32
      %swap3A_189 = arith.index_cast %add3A_188 : i32 to index
      %swap3A_190 = memref.load %arg10[%swap3A_189] : memref<512xi32, #tpu.memory_space<smem>>
      memref.store %squeeze3A_184, %arg10[%swap3A_189] : memref<512xi32, #tpu.memory_space<smem>>
      %slice3A_191 = vector.extract_strided_slice %get3A_45 {offsets = [9], sizes = [1], strides = [1]} : vector<16xi32> to vector<1xi32>
      %squeeze3A_192 = vector.extract %slice3A_191[0] : i32 from vector<1xi32>
      %mul3A_193 = arith.constant 16 : i32
      %mul3A_194 = arith.muli %add3A_42, %mul3A_193 : i32
      %add3A_195 = arith.constant 9 : i32
      %add3A_196 = arith.addi %mul3A_194, %add3A_195 : i32
      %swap3A_197 = arith.index_cast %add3A_196 : i32 to index
      %swap3A_198 = memref.load %arg9[%swap3A_197] : memref<512xi32, #tpu.memory_space<smem>>
      memref.store %squeeze3A_192, %arg9[%swap3A_197] : memref<512xi32, #tpu.memory_space<smem>>
      %slice3A_199 = vector.extract_strided_slice %get3A_49 {offsets = [9], sizes = [1], strides = [1]} : vector<16xi32> to vector<1xi32>
      %squeeze3A_200 = vector.extract %slice3A_199[0] : i32 from vector<1xi32>
      %mul3A_201 = arith.constant 16 : i32
      %mul3A_202 = arith.muli %add3A_42, %mul3A_201 : i32
      %add3A_203 = arith.constant 9 : i32
      %add3A_204 = arith.addi %mul3A_202, %add3A_203 : i32
      %swap3A_205 = arith.index_cast %add3A_204 : i32 to index
      %swap3A_206 = memref.load %arg10[%swap3A_205] : memref<512xi32, #tpu.memory_space<smem>>
      memref.store %squeeze3A_200, %arg10[%swap3A_205] : memref<512xi32, #tpu.memory_space<smem>>
      %slice3A_207 = vector.extract_strided_slice %get3A_45 {offsets = [10], sizes = [1], strides = [1]} : vector<16xi32> to vector<1xi32>
      %squeeze3A_208 = vector.extract %slice3A_207[0] : i32 from vector<1xi32>
      %mul3A_209 = arith.constant 16 : i32
      %mul3A_210 = arith.muli %add3A_42, %mul3A_209 : i32
      %add3A_211 = arith.constant 10 : i32
      %add3A_212 = arith.addi %mul3A_210, %add3A_211 : i32
      %swap3A_213 = arith.index_cast %add3A_212 : i32 to index
      %swap3A_214 = memref.load %arg9[%swap3A_213] : memref<512xi32, #tpu.memory_space<smem>>
      memref.store %squeeze3A_208, %arg9[%swap3A_213] : memref<512xi32, #tpu.memory_space<smem>>
      %slice3A_215 = vector.extract_strided_slice %get3A_49 {offsets = [10], sizes = [1], strides = [1]} : vector<16xi32> to vector<1xi32>
      %squeeze3A_216 = vector.extract %slice3A_215[0] : i32 from vector<1xi32>
      %mul3A_217 = arith.constant 16 : i32
      %mul3A_218 = arith.muli %add3A_42, %mul3A_217 : i32
      %add3A_219 = arith.constant 10 : i32
      %add3A_220 = arith.addi %mul3A_218, %add3A_219 : i32
      %swap3A_221 = arith.index_cast %add3A_220 : i32 to index
      %swap3A_222 = memref.load %arg10[%swap3A_221] : memref<512xi32, #tpu.memory_space<smem>>
      memref.store %squeeze3A_216, %arg10[%swap3A_221] : memref<512xi32, #tpu.memory_space<smem>>
      %slice3A_223 = vector.extract_strided_slice %get3A_45 {offsets = [11], sizes = [1], strides = [1]} : vector<16xi32> to vector<1xi32>
      %squeeze3A_224 = vector.extract %slice3A_223[0] : i32 from vector<1xi32>
      %mul3A_225 = arith.constant 16 : i32
      %mul3A_226 = arith.muli %add3A_42, %mul3A_225 : i32
      %add3A_227 = arith.constant 11 : i32
      %add3A_228 = arith.addi %mul3A_226, %add3A_227 : i32
      %swap3A_229 = arith.index_cast %add3A_228 : i32 to index
      %swap3A_230 = memref.load %arg9[%swap3A_229] : memref<512xi32, #tpu.memory_space<smem>>
      memref.store %squeeze3A_224, %arg9[%swap3A_229] : memref<512xi32, #tpu.memory_space<smem>>
      %slice3A_231 = vector.extract_strided_slice %get3A_49 {offsets = [11], sizes = [1], strides = [1]} : vector<16xi32> to vector<1xi32>
      %squeeze3A_232 = vector.extract %slice3A_231[0] : i32 from vector<1xi32>
      %mul3A_233 = arith.constant 16 : i32
      %mul3A_234 = arith.muli %add3A_42, %mul3A_233 : i32
      %add3A_235 = arith.constant 11 : i32
      %add3A_236 = arith.addi %mul3A_234, %add3A_235 : i32
      %swap3A_237 = arith.index_cast %add3A_236 : i32 to index
      %swap3A_238 = memref.load %arg10[%swap3A_237] : memref<512xi32, #tpu.memory_space<smem>>
      memref.store %squeeze3A_232, %arg10[%swap3A_237] : memref<512xi32, #tpu.memory_space<smem>>
      %slice3A_239 = vector.extract_strided_slice %get3A_45 {offsets = [12], sizes = [1], strides = [1]} : vector<16xi32> to vector<1xi32>
      %squeeze3A_240 = vector.extract %slice3A_239[0] : i32 from vector<1xi32>
      %mul3A_241 = arith.constant 16 : i32
      %mul3A_242 = arith.muli %add3A_42, %mul3A_241 : i32
      %add3A_243 = arith.constant 12 : i32
      %add3A_244 = arith.addi %mul3A_242, %add3A_243 : i32
      %swap3A_245 = arith.index_cast %add3A_244 : i32 to index
      %swap3A_246 = memref.load %arg9[%swap3A_245] : memref<512xi32, #tpu.memory_space<smem>>
      memref.store %squeeze3A_240, %arg9[%swap3A_245] : memref<512xi32, #tpu.memory_space<smem>>
      %slice3A_247 = vector.extract_strided_slice %get3A_49 {offsets = [12], sizes = [1], strides = [1]} : vector<16xi32> to vector<1xi32>
      %squeeze3A_248 = vector.extract %slice3A_247[0] : i32 from vector<1xi32>
      %mul3A_249 = arith.constant 16 : i32
      %mul3A_250 = arith.muli %add3A_42, %mul3A_249 : i32
      %add3A_251 = arith.constant 12 : i32
      %add3A_252 = arith.addi %mul3A_250, %add3A_251 : i32
      %swap3A_253 = arith.index_cast %add3A_252 : i32 to index
      %swap3A_254 = memref.load %arg10[%swap3A_253] : memref<512xi32, #tpu.memory_space<smem>>
      memref.store %squeeze3A_248, %arg10[%swap3A_253] : memref<512xi32, #tpu.memory_space<smem>>
      %slice3A_255 = vector.extract_strided_slice %get3A_45 {offsets = [13], sizes = [1], strides = [1]} : vector<16xi32> to vector<1xi32>
      %squeeze3A_256 = vector.extract %slice3A_255[0] : i32 from vector<1xi32>
      %mul3A_257 = arith.constant 16 : i32
      %mul3A_258 = arith.muli %add3A_42, %mul3A_257 : i32
      %add3A_259 = arith.constant 13 : i32
      %add3A_260 = arith.addi %mul3A_258, %add3A_259 : i32
      %swap3A_261 = arith.index_cast %add3A_260 : i32 to index
      %swap3A_262 = memref.load %arg9[%swap3A_261] : memref<512xi32, #tpu.memory_space<smem>>
      memref.store %squeeze3A_256, %arg9[%swap3A_261] : memref<512xi32, #tpu.memory_space<smem>>
      %slice3A_263 = vector.extract_strided_slice %get3A_49 {offsets = [13], sizes = [1], strides = [1]} : vector<16xi32> to vector<1xi32>
      %squeeze3A_264 = vector.extract %slice3A_263[0] : i32 from vector<1xi32>
      %mul3A_265 = arith.constant 16 : i32
      %mul3A_266 = arith.muli %add3A_42, %mul3A_265 : i32
      %add3A_267 = arith.constant 13 : i32
      %add3A_268 = arith.addi %mul3A_266, %add3A_267 : i32
      %swap3A_269 = arith.index_cast %add3A_268 : i32 to index
      %swap3A_270 = memref.load %arg10[%swap3A_269] : memref<512xi32, #tpu.memory_space<smem>>
      memref.store %squeeze3A_264, %arg10[%swap3A_269] : memref<512xi32, #tpu.memory_space<smem>>
      %slice3A_271 = vector.extract_strided_slice %get3A_45 {offsets = [14], sizes = [1], strides = [1]} : vector<16xi32> to vector<1xi32>
      %squeeze3A_272 = vector.extract %slice3A_271[0] : i32 from vector<1xi32>
      %mul3A_273 = arith.constant 16 : i32
      %mul3A_274 = arith.muli %add3A_42, %mul3A_273 : i32
      %add3A_275 = arith.constant 14 : i32
      %add3A_276 = arith.addi %mul3A_274, %add3A_275 : i32
      %swap3A_277 = arith.index_cast %add3A_276 : i32 to index
      %swap3A_278 = memref.load %arg9[%swap3A_277] : memref<512xi32, #tpu.memory_space<smem>>
      memref.store %squeeze3A_272, %arg9[%swap3A_277] : memref<512xi32, #tpu.memory_space<smem>>
      %slice3A_279 = vector.extract_strided_slice %get3A_49 {offsets = [14], sizes = [1], strides = [1]} : vector<16xi32> to vector<1xi32>
      %squeeze3A_280 = vector.extract %slice3A_279[0] : i32 from vector<1xi32>
      %mul3A_281 = arith.constant 16 : i32
      %mul3A_282 = arith.muli %add3A_42, %mul3A_281 : i32
      %add3A_283 = arith.constant 14 : i32
      %add3A_284 = arith.addi %mul3A_282, %add3A_283 : i32
      %swap3A_285 = arith.index_cast %add3A_284 : i32 to index
      %swap3A_286 = memref.load %arg10[%swap3A_285] : memref<512xi32, #tpu.memory_space<smem>>
      memref.store %squeeze3A_280, %arg10[%swap3A_285] : memref<512xi32, #tpu.memory_space<smem>>
      %slice3A_287 = vector.extract_strided_slice %get3A_45 {offsets = [15], sizes = [1], strides = [1]} : vector<16xi32> to vector<1xi32>
      %squeeze3A_288 = vector.extract %slice3A_287[0] : i32 from vector<1xi32>
      %mul3A_289 = arith.constant 16 : i32
      %mul3A_290 = arith.muli %add3A_42, %mul3A_289 : i32
      %add3A_291 = arith.constant 15 : i32
      %add3A_292 = arith.addi %mul3A_290, %add3A_291 : i32
      %swap3A_293 = arith.index_cast %add3A_292 : i32 to index
      %swap3A_294 = memref.load %arg9[%swap3A_293] : memref<512xi32, #tpu.memory_space<smem>>
      memref.store %squeeze3A_288, %arg9[%swap3A_293] : memref<512xi32, #tpu.memory_space<smem>>
      %slice3A_295 = vector.extract_strided_slice %get3A_49 {offsets = [15], sizes = [1], strides = [1]} : vector<16xi32> to vector<1xi32>
      %squeeze3A_296 = vector.extract %slice3A_295[0] : i32 from vector<1xi32>
      %mul3A_297 = arith.constant 16 : i32
      %mul3A_298 = arith.muli %add3A_42, %mul3A_297 : i32
      %add3A_299 = arith.constant 15 : i32
      %add3A_300 = arith.addi %mul3A_298, %add3A_299 : i32
      %swap3A_301 = arith.index_cast %add3A_300 : i32 to index
      %swap3A_302 = memref.load %arg10[%swap3A_301] : memref<512xi32, #tpu.memory_space<smem>>
      memref.store %squeeze3A_296, %arg10[%swap3A_301] : memref<512xi32, #tpu.memory_space<smem>>
    }
    %scan3A_4 = arith.constant 32 : i32
    %iota3A = tpu.iota {dimensions = array<i32: 0>} : vector<16xi32>
    %shift_right_arithmetic3A = arith.constant 2 : i32
    %shift_right_arithmetic3A_5 = vector.broadcast %shift_right_arithmetic3A : i32 to vector<16xi32>
    %shift_right_arithmetic3A_6 = arith.shrsi %iota3A, %shift_right_arithmetic3A_5 : vector<16xi32>
    %and3A = arith.constant 3 : i32
    %and3A_7 = vector.broadcast %and3A : i32 to vector<16xi32>
    %and3A_8 = arith.andi %iota3A, %and3A_7 : vector<16xi32>
    %xor3A = arith.constant 1 : i32
    %xor3A_9 = vector.broadcast %xor3A : i32 to vector<16xi32>
    %xor3A_10 = arith.xori %iota3A, %xor3A_9 : vector<16xi32>
    %xor3A_11 = arith.constant 2 : i32
    %xor3A_12 = vector.broadcast %xor3A_11 : i32 to vector<16xi32>
    %xor3A_13 = arith.xori %iota3A, %xor3A_12 : vector<16xi32>
    %eq3A = arith.constant 0 : i32
    %eq3A_14 = vector.broadcast %eq3A : i32 to vector<16xi32>
    %eq3A_15 = arith.cmpi eq, %and3A_8, %eq3A_14 : vector<16xi32>
    %rem3A = arith.constant 0 : i32
    %rem3A_16 = arith.constant 3 : i32
    %rem3A_17 = arith.remsi %rem3A, %rem3A_16 : i32
    %scan3A_18 = arith.constant 0 : i32
    %scan3A_19 = arith.constant 4 : i32
    %scan3A_20 = arith.addi %scan3A_18, %scan3A_19 : i32
    %scan3A_21 = arith.constant 1 : i32
    scf.for %scan3A_38 = %scan3A_18 to %scan3A_20 step %scan3A_21  : i32 {
      %mul3A_39 = arith.constant 1 : i32
      %mul3A_40 = arith.muli %scan3A_38, %mul3A_39 : i32
      %add3A_41 = arith.constant 0 : i32
      %add3A_42 = arith.addi %add3A_41, %mul3A_40 : i32
      %add3A_43 = arith.constant 0 : i32
      %add3A_44 = arith.addi %add3A_43, %add3A_42 : i32
      %get3A = arith.index_cast %add3A_44 : i32 to index
      %get3A_45 = memref.load %arg9[%get3A] : memref<512xi32, #tpu.memory_space<smem>>
      %sub3A = arith.constant 1 : i32
      %sub3A_46 = arith.subi %get3A_45, %sub3A : i32
      %add3A_47 = arith.constant 0 : i32
      %add3A_48 = arith.addi %add3A_47, %add3A_42 : i32
      %get3A_49 = arith.index_cast %add3A_48 : i32 to index
      %get3A_50 = memref.load %arg10[%get3A_49] : memref<512xi32, #tpu.memory_space<smem>>
      %sub3A_51 = arith.constant 1 : i32
      %sub3A_52 = arith.subi %get3A_50, %sub3A_51 : i32
      %rem3A_53 = arith.constant 128 : i32
      %rem3A_54 = arith.remsi %sub3A_46, %rem3A_53 : i32
      %sub3A_55 = arith.subi %sub3A_46, %rem3A_54 : i32
      %multiple_of3A = tpu.assume_multiple %sub3A_55, 128 : i32
      %rem3A_56 = arith.constant 128 : i32
      %rem3A_57 = arith.remsi %sub3A_52, %rem3A_56 : i32
      %sub3A_58 = arith.subi %sub3A_52, %rem3A_57 : i32
      %multiple_of3A_59 = tpu.assume_multiple %sub3A_58, 128 : i32
      %dma_start3A = arith.constant 0 : i32
      %dma_start3A_60 = arith.constant 0 : i32
      %dma_start3A_61 = tpu.memref_slice %arg11[%rem3A_17, %add3A_42, %dma_start3A, %dma_start3A_60] : memref<3x4x32x128xf32, #tpu.memory_space<vmem>> -> memref<1x1x32x128xf32, #tpu.memory_space<vmem>>
      %dma_start3A_62 = tpu.memref_squeeze %dma_start3A_61 : memref<1x1x32x128xf32, #tpu.memory_space<vmem>> -> memref<32x128xf32, #tpu.memory_space<vmem>>
      %dma_start3A_63 = arith.constant 0 : i32
      %dma_start3A_64 = tpu.memref_slice %arg4[%dma_start3A_63, %multiple_of3A] : memref<32x1000000xf32, #tpu.memory_space<hbm>> -> memref<32x128xf32, #tpu.memory_space<hbm>>
      %dma_start3A_65 = tpu.memref_slice %arg14[%rem3A_17] : memref<3x!tpu.dma_semaphore, #tpu.memory_space<semaphore_mem>> -> memref<1x!tpu.dma_semaphore, #tpu.memory_space<semaphore_mem>>
      %dma_start3A_66 = tpu.memref_squeeze %dma_start3A_65 : memref<1x!tpu.dma_semaphore, #tpu.memory_space<semaphore_mem>> -> memref<!tpu.dma_semaphore, #tpu.memory_space<semaphore_mem>>
      %dma_start3A_67 = arith.constant 0 : i32
      %dma_start3A_68 = arith.constant 0 : i32
      %dma_start3A_69 = tpu.memref_slice %arg11[%rem3A_17, %add3A_42, %dma_start3A_67, %dma_start3A_68] : memref<3x4x32x128xf32, #tpu.memory_space<vmem>> -> memref<1x1x32x128xf32, #tpu.memory_space<vmem>>
      %dma_start3A_70 = tpu.memref_squeeze %dma_start3A_69 : memref<1x1x32x128xf32, #tpu.memory_space<vmem>> -> memref<32x128xf32, #tpu.memory_space<vmem>>
      %dma_start3A_71 = arith.constant 0 : i32
      %dma_start3A_72 = tpu.memref_slice %arg4[%dma_start3A_71, %multiple_of3A] : memref<32x1000000xf32, #tpu.memory_space<hbm>> -> memref<32x128xf32, #tpu.memory_space<hbm>>
      tpu.enqueue_dma source(%dma_start3A_72 : memref<32x128xf32, #tpu.memory_space<hbm>>) target(%dma_start3A_70 : memref<32x128xf32, #tpu.memory_space<vmem>>) target_semaphore(%dma_start3A_66 : memref<!tpu.dma_semaphore, #tpu.memory_space<semaphore_mem>>)
      %dma_start3A_73 = arith.constant 0 : i32
      %dma_start3A_74 = arith.constant 0 : i32
      %dma_start3A_75 = tpu.memref_slice %arg12[%rem3A_17, %add3A_42, %dma_start3A_73, %dma_start3A_74] : memref<3x4x32x128xf32, #tpu.memory_space<vmem>> -> memref<1x1x32x128xf32, #tpu.memory_space<vmem>>
      %dma_start3A_76 = tpu.memref_squeeze %dma_start3A_75 : memref<1x1x32x128xf32, #tpu.memory_space<vmem>> -> memref<32x128xf32, #tpu.memory_space<vmem>>
      %dma_start3A_77 = arith.constant 0 : i32
      %dma_start3A_78 = tpu.memref_slice %arg5[%dma_start3A_77, %multiple_of3A_59] : memref<32x1000000xf32, #tpu.memory_space<hbm>> -> memref<32x128xf32, #tpu.memory_space<hbm>>
      %dma_start3A_79 = tpu.memref_slice %arg14[%rem3A_17] : memref<3x!tpu.dma_semaphore, #tpu.memory_space<semaphore_mem>> -> memref<1x!tpu.dma_semaphore, #tpu.memory_space<semaphore_mem>>
      %dma_start3A_80 = tpu.memref_squeeze %dma_start3A_79 : memref<1x!tpu.dma_semaphore, #tpu.memory_space<semaphore_mem>> -> memref<!tpu.dma_semaphore, #tpu.memory_space<semaphore_mem>>
      %dma_start3A_81 = arith.constant 0 : i32
      %dma_start3A_82 = arith.constant 0 : i32
      %dma_start3A_83 = tpu.memref_slice %arg12[%rem3A_17, %add3A_42, %dma_start3A_81, %dma_start3A_82] : memref<3x4x32x128xf32, #tpu.memory_space<vmem>> -> memref<1x1x32x128xf32, #tpu.memory_space<vmem>>
      %dma_start3A_84 = tpu.memref_squeeze %dma_start3A_83 : memref<1x1x32x128xf32, #tpu.memory_space<vmem>> -> memref<32x128xf32, #tpu.memory_space<vmem>>
      %dma_start3A_85 = arith.constant 0 : i32
      %dma_start3A_86 = tpu.memref_slice %arg5[%dma_start3A_85, %multiple_of3A_59] : memref<32x1000000xf32, #tpu.memory_space<hbm>> -> memref<32x128xf32, #tpu.memory_space<hbm>>
      tpu.enqueue_dma source(%dma_start3A_86 : memref<32x128xf32, #tpu.memory_space<hbm>>) target(%dma_start3A_84 : memref<32x128xf32, #tpu.memory_space<vmem>>) target_semaphore(%dma_start3A_80 : memref<!tpu.dma_semaphore, #tpu.memory_space<semaphore_mem>>)
    }
    %scan3A_22 = arith.constant 4 : i32
    %rem3A_23 = arith.constant 1 : i32
    %rem3A_24 = arith.constant 3 : i32
    %rem3A_25 = arith.remsi %rem3A_23, %rem3A_24 : i32
    %scan3A_26 = arith.constant 0 : i32
    %scan3A_27 = arith.constant 4 : i32
    %scan3A_28 = arith.addi %scan3A_26, %scan3A_27 : i32
    %scan3A_29 = arith.constant 1 : i32
    scf.for %scan3A_38 = %scan3A_26 to %scan3A_28 step %scan3A_29  : i32 {
      %mul3A_39 = arith.constant 1 : i32
      %mul3A_40 = arith.muli %scan3A_38, %mul3A_39 : i32
      %add3A_41 = arith.constant 0 : i32
      %add3A_42 = arith.addi %add3A_41, %mul3A_40 : i32
      %add3A_43 = arith.constant 4 : i32
      %add3A_44 = arith.addi %add3A_43, %add3A_42 : i32
      %get3A = arith.index_cast %add3A_44 : i32 to index
      %get3A_45 = memref.load %arg9[%get3A] : memref<512xi32, #tpu.memory_space<smem>>
      %sub3A = arith.constant 1 : i32
      %sub3A_46 = arith.subi %get3A_45, %sub3A : i32
      %add3A_47 = arith.constant 4 : i32
      %add3A_48 = arith.addi %add3A_47, %add3A_42 : i32
      %get3A_49 = arith.index_cast %add3A_48 : i32 to index
      %get3A_50 = memref.load %arg10[%get3A_49] : memref<512xi32, #tpu.memory_space<smem>>
      %sub3A_51 = arith.constant 1 : i32
      %sub3A_52 = arith.subi %get3A_50, %sub3A_51 : i32
      %rem3A_53 = arith.constant 128 : i32
      %rem3A_54 = arith.remsi %sub3A_46, %rem3A_53 : i32
      %sub3A_55 = arith.subi %sub3A_46, %rem3A_54 : i32
      %multiple_of3A = tpu.assume_multiple %sub3A_55, 128 : i32
      %rem3A_56 = arith.constant 128 : i32
      %rem3A_57 = arith.remsi %sub3A_52, %rem3A_56 : i32
      %sub3A_58 = arith.subi %sub3A_52, %rem3A_57 : i32
      %multiple_of3A_59 = tpu.assume_multiple %sub3A_58, 128 : i32
      %dma_start3A = arith.constant 0 : i32
      %dma_start3A_60 = arith.constant 0 : i32
      %dma_start3A_61 = tpu.memref_slice %arg11[%rem3A_25, %add3A_42, %dma_start3A, %dma_start3A_60] : memref<3x4x32x128xf32, #tpu.memory_space<vmem>> -> memref<1x1x32x128xf32, #tpu.memory_space<vmem>>
      %dma_start3A_62 = tpu.memref_squeeze %dma_start3A_61 : memref<1x1x32x128xf32, #tpu.memory_space<vmem>> -> memref<32x128xf32, #tpu.memory_space<vmem>>
      %dma_start3A_63 = arith.constant 0 : i32
      %dma_start3A_64 = tpu.memref_slice %arg4[%dma_start3A_63, %multiple_of3A] : memref<32x1000000xf32, #tpu.memory_space<hbm>> -> memref<32x128xf32, #tpu.memory_space<hbm>>
      %dma_start3A_65 = tpu.memref_slice %arg14[%rem3A_25] : memref<3x!tpu.dma_semaphore, #tpu.memory_space<semaphore_mem>> -> memref<1x!tpu.dma_semaphore, #tpu.memory_space<semaphore_mem>>
      %dma_start3A_66 = tpu.memref_squeeze %dma_start3A_65 : memref<1x!tpu.dma_semaphore, #tpu.memory_space<semaphore_mem>> -> memref<!tpu.dma_semaphore, #tpu.memory_space<semaphore_mem>>
      %dma_start3A_67 = arith.constant 0 : i32
      %dma_start3A_68 = arith.constant 0 : i32
      %dma_start3A_69 = tpu.memref_slice %arg11[%rem3A_25, %add3A_42, %dma_start3A_67, %dma_start3A_68] : memref<3x4x32x128xf32, #tpu.memory_space<vmem>> -> memref<1x1x32x128xf32, #tpu.memory_space<vmem>>
      %dma_start3A_70 = tpu.memref_squeeze %dma_start3A_69 : memref<1x1x32x128xf32, #tpu.memory_space<vmem>> -> memref<32x128xf32, #tpu.memory_space<vmem>>
      %dma_start3A_71 = arith.constant 0 : i32
      %dma_start3A_72 = tpu.memref_slice %arg4[%dma_start3A_71, %multiple_of3A] : memref<32x1000000xf32, #tpu.memory_space<hbm>> -> memref<32x128xf32, #tpu.memory_space<hbm>>
      tpu.enqueue_dma source(%dma_start3A_72 : memref<32x128xf32, #tpu.memory_space<hbm>>) target(%dma_start3A_70 : memref<32x128xf32, #tpu.memory_space<vmem>>) target_semaphore(%dma_start3A_66 : memref<!tpu.dma_semaphore, #tpu.memory_space<semaphore_mem>>)
      %dma_start3A_73 = arith.constant 0 : i32
      %dma_start3A_74 = arith.constant 0 : i32
      %dma_start3A_75 = tpu.memref_slice %arg12[%rem3A_25, %add3A_42, %dma_start3A_73, %dma_start3A_74] : memref<3x4x32x128xf32, #tpu.memory_space<vmem>> -> memref<1x1x32x128xf32, #tpu.memory_space<vmem>>
      %dma_start3A_76 = tpu.memref_squeeze %dma_start3A_75 : memref<1x1x32x128xf32, #tpu.memory_space<vmem>> -> memref<32x128xf32, #tpu.memory_space<vmem>>
      %dma_start3A_77 = arith.constant 0 : i32
      %dma_start3A_78 = tpu.memref_slice %arg5[%dma_start3A_77, %multiple_of3A_59] : memref<32x1000000xf32, #tpu.memory_space<hbm>> -> memref<32x128xf32, #tpu.memory_space<hbm>>
      %dma_start3A_79 = tpu.memref_slice %arg14[%rem3A_25] : memref<3x!tpu.dma_semaphore, #tpu.memory_space<semaphore_mem>> -> memref<1x!tpu.dma_semaphore, #tpu.memory_space<semaphore_mem>>
      %dma_start3A_80 = tpu.memref_squeeze %dma_start3A_79 : memref<1x!tpu.dma_semaphore, #tpu.memory_space<semaphore_mem>> -> memref<!tpu.dma_semaphore, #tpu.memory_space<semaphore_mem>>
      %dma_start3A_81 = arith.constant 0 : i32
      %dma_start3A_82 = arith.constant 0 : i32
      %dma_start3A_83 = tpu.memref_slice %arg12[%rem3A_25, %add3A_42, %dma_start3A_81, %dma_start3A_82] : memref<3x4x32x128xf32, #tpu.memory_space<vmem>> -> memref<1x1x32x128xf32, #tpu.memory_space<vmem>>
      %dma_start3A_84 = tpu.memref_squeeze %dma_start3A_83 : memref<1x1x32x128xf32, #tpu.memory_space<vmem>> -> memref<32x128xf32, #tpu.memory_space<vmem>>
      %dma_start3A_85 = arith.constant 0 : i32
      %dma_start3A_86 = tpu.memref_slice %arg5[%dma_start3A_85, %multiple_of3A_59] : memref<32x1000000xf32, #tpu.memory_space<hbm>> -> memref<32x128xf32, #tpu.memory_space<hbm>>
      tpu.enqueue_dma source(%dma_start3A_86 : memref<32x128xf32, #tpu.memory_space<hbm>>) target(%dma_start3A_84 : memref<32x128xf32, #tpu.memory_space<vmem>>) target_semaphore(%dma_start3A_80 : memref<!tpu.dma_semaphore, #tpu.memory_space<semaphore_mem>>)
    }
    %scan3A_30 = arith.constant 4 : i32
    %scan3A_31 = arith.constant 0 : i32
    %scan3A_32 = arith.constant 128 : i32
    %scan3A_33 = arith.addi %scan3A_31, %scan3A_32 : i32
    %scan3A_34 = arith.constant 1 : i32
    scf.for %scan3A_38 = %scan3A_31 to %scan3A_33 step %scan3A_34  : i32 {
      %mul3A_39 = arith.constant 1 : i32
      %mul3A_40 = arith.muli %scan3A_38, %mul3A_39 : i32
      %add3A_41 = arith.constant 0 : i32
      %add3A_42 = arith.addi %add3A_41, %mul3A_40 : i32
      %lt3A = arith.constant 126 : i32
      %lt3A_43 = arith.cmpi slt, %add3A_42, %lt3A : i32
      %convert_element_type3A = arith.extui %lt3A_43 : i1 to i32
      %cond3A = arith.constant 0 : i32
      %cond3A_44 = arith.cmpi ne, %convert_element_type3A, %cond3A : i32
      scf.if %cond3A_44 {
        %add3A_134 = arith.constant 3 : i32
        %add3A_135 = arith.addi %add3A_42, %add3A_134 : i32
        %sub3A_136 = arith.constant 1 : i32
        %sub3A_137 = arith.subi %add3A_135, %sub3A_136 : i32
        %rem3A_138 = arith.constant 3 : i32
        %rem3A_139 = arith.remsi %sub3A_137, %rem3A_138 : i32
        %scan3A_140 = arith.constant 0 : i32
        %scan3A_141 = arith.constant 4 : i32
        %scan3A_142 = arith.addi %scan3A_140, %scan3A_141 : i32
        %scan3A_143 = arith.constant 1 : i32
        scf.for %scan3A_145 = %scan3A_140 to %scan3A_142 step %scan3A_143  : i32 {
          %mul3A_146 = arith.constant 1 : i32
          %mul3A_147 = arith.muli %scan3A_145, %mul3A_146 : i32
          %add3A_148 = arith.constant 0 : i32
          %add3A_149 = arith.addi %add3A_148, %mul3A_147 : i32
          %mul3A_150 = arith.constant 4 : i32
          %mul3A_151 = arith.muli %sub3A_137, %mul3A_150 : i32
          %add3A_152 = arith.addi %mul3A_151, %add3A_149 : i32
          %get3A = arith.index_cast %add3A_152 : i32 to index
          %get3A_153 = memref.load %arg9[%get3A] : memref<512xi32, #tpu.memory_space<smem>>
          %sub3A_154 = arith.constant 1 : i32
          %sub3A_155 = arith.subi %get3A_153, %sub3A_154 : i32
          %mul3A_156 = arith.constant 4 : i32
          %mul3A_157 = arith.muli %sub3A_137, %mul3A_156 : i32
          %add3A_158 = arith.addi %mul3A_157, %add3A_149 : i32
          %get3A_159 = arith.index_cast %add3A_158 : i32 to index
          %get3A_160 = memref.load %arg10[%get3A_159] : memref<512xi32, #tpu.memory_space<smem>>
          %sub3A_161 = arith.constant 1 : i32
          %sub3A_162 = arith.subi %get3A_160, %sub3A_161 : i32
          %rem3A_163 = arith.constant 128 : i32
          %rem3A_164 = arith.remsi %sub3A_155, %rem3A_163 : i32
          %sub3A_165 = arith.subi %sub3A_155, %rem3A_164 : i32
          %multiple_of3A = tpu.assume_multiple %sub3A_165, 128 : i32
          %rem3A_166 = arith.constant 128 : i32
          %rem3A_167 = arith.remsi %sub3A_162, %rem3A_166 : i32
          %sub3A_168 = arith.subi %sub3A_162, %rem3A_167 : i32
          %multiple_of3A_169 = tpu.assume_multiple %sub3A_168, 128 : i32
          %dma_start3A = arith.constant 0 : i32
          %dma_start3A_170 = arith.constant 0 : i32
          %dma_start3A_171 = tpu.memref_slice %arg11[%rem3A_139, %add3A_149, %dma_start3A, %dma_start3A_170] : memref<3x4x32x128xf32, #tpu.memory_space<vmem>> -> memref<1x1x32x128xf32, #tpu.memory_space<vmem>>
          %dma_start3A_172 = tpu.memref_squeeze %dma_start3A_171 : memref<1x1x32x128xf32, #tpu.memory_space<vmem>> -> memref<32x128xf32, #tpu.memory_space<vmem>>
          %dma_start3A_173 = arith.constant 0 : i32
          %dma_start3A_174 = tpu.memref_slice %arg4[%dma_start3A_173, %multiple_of3A] : memref<32x1000000xf32, #tpu.memory_space<hbm>> -> memref<32x128xf32, #tpu.memory_space<hbm>>
          %dma_start3A_175 = tpu.memref_slice %arg14[%rem3A_139] : memref<3x!tpu.dma_semaphore, #tpu.memory_space<semaphore_mem>> -> memref<1x!tpu.dma_semaphore, #tpu.memory_space<semaphore_mem>>
          %dma_start3A_176 = tpu.memref_squeeze %dma_start3A_175 : memref<1x!tpu.dma_semaphore, #tpu.memory_space<semaphore_mem>> -> memref<!tpu.dma_semaphore, #tpu.memory_space<semaphore_mem>>
          %dma_start3A_177 = arith.constant 0 : i32
          %dma_start3A_178 = arith.constant 0 : i32
          %dma_start3A_179 = tpu.memref_slice %arg11[%rem3A_139, %add3A_149, %dma_start3A_177, %dma_start3A_178] : memref<3x4x32x128xf32, #tpu.memory_space<vmem>> -> memref<1x1x32x128xf32, #tpu.memory_space<vmem>>
          %dma_start3A_180 = tpu.memref_squeeze %dma_start3A_179 : memref<1x1x32x128xf32, #tpu.memory_space<vmem>> -> memref<32x128xf32, #tpu.memory_space<vmem>>
          %dma_start3A_181 = arith.constant 0 : i32
          %dma_start3A_182 = tpu.memref_slice %arg4[%dma_start3A_181, %multiple_of3A] : memref<32x1000000xf32, #tpu.memory_space<hbm>> -> memref<32x128xf32, #tpu.memory_space<hbm>>
          tpu.enqueue_dma source(%dma_start3A_182 : memref<32x128xf32, #tpu.memory_space<hbm>>) target(%dma_start3A_180 : memref<32x128xf32, #tpu.memory_space<vmem>>) target_semaphore(%dma_start3A_176 : memref<!tpu.dma_semaphore, #tpu.memory_space<semaphore_mem>>)
          %dma_start3A_183 = arith.constant 0 : i32
          %dma_start3A_184 = arith.constant 0 : i32
          %dma_start3A_185 = tpu.memref_slice %arg12[%rem3A_139, %add3A_149, %dma_start3A_183, %dma_start3A_184] : memref<3x4x32x128xf32, #tpu.memory_space<vmem>> -> memref<1x1x32x128xf32, #tpu.memory_space<vmem>>
          %dma_start3A_186 = tpu.memref_squeeze %dma_start3A_185 : memref<1x1x32x128xf32, #tpu.memory_space<vmem>> -> memref<32x128xf32, #tpu.memory_space<vmem>>
          %dma_start3A_187 = arith.constant 0 : i32
          %dma_start3A_188 = tpu.memref_slice %arg5[%dma_start3A_187, %multiple_of3A_169] : memref<32x1000000xf32, #tpu.memory_space<hbm>> -> memref<32x128xf32, #tpu.memory_space<hbm>>
          %dma_start3A_189 = tpu.memref_slice %arg14[%rem3A_139] : memref<3x!tpu.dma_semaphore, #tpu.memory_space<semaphore_mem>> -> memref<1x!tpu.dma_semaphore, #tpu.memory_space<semaphore_mem>>
          %dma_start3A_190 = tpu.memref_squeeze %dma_start3A_189 : memref<1x!tpu.dma_semaphore, #tpu.memory_space<semaphore_mem>> -> memref<!tpu.dma_semaphore, #tpu.memory_space<semaphore_mem>>
          %dma_start3A_191 = arith.constant 0 : i32
          %dma_start3A_192 = arith.constant 0 : i32
          %dma_start3A_193 = tpu.memref_slice %arg12[%rem3A_139, %add3A_149, %dma_start3A_191, %dma_start3A_192] : memref<3x4x32x128xf32, #tpu.memory_space<vmem>> -> memref<1x1x32x128xf32, #tpu.memory_space<vmem>>
          %dma_start3A_194 = tpu.memref_squeeze %dma_start3A_193 : memref<1x1x32x128xf32, #tpu.memory_space<vmem>> -> memref<32x128xf32, #tpu.memory_space<vmem>>
          %dma_start3A_195 = arith.constant 0 : i32
          %dma_start3A_196 = tpu.memref_slice %arg5[%dma_start3A_195, %multiple_of3A_169] : memref<32x1000000xf32, #tpu.memory_space<hbm>> -> memref<32x128xf32, #tpu.memory_space<hbm>>
          tpu.enqueue_dma source(%dma_start3A_196 : memref<32x128xf32, #tpu.memory_space<hbm>>) target(%dma_start3A_194 : memref<32x128xf32, #tpu.memory_space<vmem>>) target_semaphore(%dma_start3A_190 : memref<!tpu.dma_semaphore, #tpu.memory_space<semaphore_mem>>)
        }
        %scan3A_144 = arith.constant 4 : i32
      } else {
      }
      %rem3A_45 = arith.constant 3 : i32
      %rem3A_46 = arith.remsi %add3A_42, %rem3A_45 : i32
      %scan3A_47 = arith.constant 0 : i32
      %scan3A_48 = arith.constant 4 : i32
      %scan3A_49 = arith.addi %scan3A_47, %scan3A_48 : i32
      %scan3A_50 = arith.constant 1 : i32
      scf.for %scan3A_134 = %scan3A_47 to %scan3A_49 step %scan3A_50  : i32 {
        %mul3A_135 = arith.constant 1 : i32
        %mul3A_136 = arith.muli %scan3A_134, %mul3A_135 : i32
        %add3A_137 = arith.constant 0 : i32
        %add3A_138 = arith.addi %add3A_137, %mul3A_136 : i32
        %dma_wait3A = arith.constant 0 : i32
        %dma_wait3A_139 = arith.constant 0 : i32
        %dma_wait3A_140 = tpu.memref_slice %arg11[%rem3A_46, %add3A_138, %dma_wait3A, %dma_wait3A_139] : memref<3x4x32x128xf32, #tpu.memory_space<vmem>> -> memref<1x1x32x128xf32, #tpu.memory_space<vmem>>
        %dma_wait3A_141 = tpu.memref_squeeze %dma_wait3A_140 : memref<1x1x32x128xf32, #tpu.memory_space<vmem>> -> memref<32x128xf32, #tpu.memory_space<vmem>>
        %dma_wait3A_142 = arith.constant 0 : i32
        %dma_wait3A_143 = arith.constant 0 : i32
        %dma_wait3A_144 = tpu.memref_slice %arg4[%dma_wait3A_142, %dma_wait3A_143] : memref<32x1000000xf32, #tpu.memory_space<hbm>> -> memref<32x128xf32, #tpu.memory_space<hbm>>
        %dma_wait3A_145 = tpu.memref_slice %arg14[%rem3A_46] : memref<3x!tpu.dma_semaphore, #tpu.memory_space<semaphore_mem>> -> memref<1x!tpu.dma_semaphore, #tpu.memory_space<semaphore_mem>>
        %dma_wait3A_146 = tpu.memref_squeeze %dma_wait3A_145 : memref<1x!tpu.dma_semaphore, #tpu.memory_space<semaphore_mem>> -> memref<!tpu.dma_semaphore, #tpu.memory_space<semaphore_mem>>
        %dma_wait3A_147 = arith.constant 0 : i32
        %dma_wait3A_148 = arith.constant 0 : i32
        %dma_wait3A_149 = tpu.memref_slice %arg11[%rem3A_46, %add3A_138, %dma_wait3A_147, %dma_wait3A_148] : memref<3x4x32x128xf32, #tpu.memory_space<vmem>> -> memref<1x1x32x128xf32, #tpu.memory_space<vmem>>
        %dma_wait3A_150 = tpu.memref_squeeze %dma_wait3A_149 : memref<1x1x32x128xf32, #tpu.memory_space<vmem>> -> memref<32x128xf32, #tpu.memory_space<vmem>>
        %dma_wait3A_151 = arith.constant 0 : i32
        %dma_wait3A_152 = arith.constant 0 : i32
        %dma_wait3A_153 = tpu.memref_slice %arg4[%dma_wait3A_151, %dma_wait3A_152] : memref<32x1000000xf32, #tpu.memory_space<hbm>> -> memref<32x128xf32, #tpu.memory_space<hbm>>
        tpu.wait_dma2 semaphore(%dma_wait3A_146 : memref<!tpu.dma_semaphore, #tpu.memory_space<semaphore_mem>>) src(%dma_wait3A_153 : memref<32x128xf32, #tpu.memory_space<hbm>>) dst(%dma_wait3A_150 : memref<32x128xf32, #tpu.memory_space<vmem>>)
        %dma_wait3A_154 = arith.constant 0 : i32
        %dma_wait3A_155 = arith.constant 0 : i32
        %dma_wait3A_156 = tpu.memref_slice %arg12[%rem3A_46, %add3A_138, %dma_wait3A_154, %dma_wait3A_155] : memref<3x4x32x128xf32, #tpu.memory_space<vmem>> -> memref<1x1x32x128xf32, #tpu.memory_space<vmem>>
        %dma_wait3A_157 = tpu.memref_squeeze %dma_wait3A_156 : memref<1x1x32x128xf32, #tpu.memory_space<vmem>> -> memref<32x128xf32, #tpu.memory_space<vmem>>
        %dma_wait3A_158 = arith.constant 0 : i32
        %dma_wait3A_159 = arith.constant 0 : i32
        %dma_wait3A_160 = tpu.memref_slice %arg5[%dma_wait3A_158, %dma_wait3A_159] : memref<32x1000000xf32, #tpu.memory_space<hbm>> -> memref<32x128xf32, #tpu.memory_space<hbm>>
        %dma_wait3A_161 = tpu.memref_slice %arg14[%rem3A_46] : memref<3x!tpu.dma_semaphore, #tpu.memory_space<semaphore_mem>> -> memref<1x!tpu.dma_semaphore, #tpu.memory_space<semaphore_mem>>
        %dma_wait3A_162 = tpu.memref_squeeze %dma_wait3A_161 : memref<1x!tpu.dma_semaphore, #tpu.memory_space<semaphore_mem>> -> memref<!tpu.dma_semaphore, #tpu.memory_space<semaphore_mem>>
        %dma_wait3A_163 = arith.constant 0 : i32
        %dma_wait3A_164 = arith.constant 0 : i32
        %dma_wait3A_165 = tpu.memref_slice %arg12[%rem3A_46, %add3A_138, %dma_wait3A_163, %dma_wait3A_164] : memref<3x4x32x128xf32, #tpu.memory_space<vmem>> -> memref<1x1x32x128xf32, #tpu.memory_space<vmem>>
        %dma_wait3A_166 = tpu.memref_squeeze %dma_wait3A_165 : memref<1x1x32x128xf32, #tpu.memory_space<vmem>> -> memref<32x128xf32, #tpu.memory_space<vmem>>
        %dma_wait3A_167 = arith.constant 0 : i32
        %dma_wait3A_168 = arith.constant 0 : i32
        %dma_wait3A_169 = tpu.memref_slice %arg5[%dma_wait3A_167, %dma_wait3A_168] : memref<32x1000000xf32, #tpu.memory_space<hbm>> -> memref<32x128xf32, #tpu.memory_space<hbm>>
        tpu.wait_dma2 semaphore(%dma_wait3A_162 : memref<!tpu.dma_semaphore, #tpu.memory_space<semaphore_mem>>) src(%dma_wait3A_169 : memref<32x128xf32, #tpu.memory_space<hbm>>) dst(%dma_wait3A_166 : memref<32x128xf32, #tpu.memory_space<vmem>>)
      }
      %scan3A_51 = arith.constant 4 : i32
      %broadcast_in_dim3A = vector.broadcast %rem3A_46 : i32 to vector<16xi32>
      %mul3A_52 = arith.constant 4 : i32
      %mul3A_53 = arith.muli %add3A_42, %mul3A_52 : i32
      %add3A_54 = vector.broadcast %mul3A_53 : i32 to vector<16xi32>
      %add3A_55 = arith.addi %add3A_54, %shift_right_arithmetic3A_6 : vector<16xi32>
      %gather3A = tpu.vector_load_idx %arg7[%add3A_55] : memref<512xi32, #tpu.memory_space<vmem>>[vector<16xi32>], vector<16xi32>,
      %sub3A = arith.constant 1 : i32
      %sub3A_56 = vector.broadcast %sub3A : i32 to vector<16xi32>
      %sub3A_57 = arith.subi %gather3A, %sub3A_56 : vector<16xi32>
      %gather3A_58 = tpu.vector_load_idx %arg8[%add3A_55] : memref<512xi32, #tpu.memory_space<vmem>>[vector<16xi32>], vector<16xi32>,
      %sub3A_59 = arith.constant 1 : i32
      %sub3A_60 = vector.broadcast %sub3A_59 : i32 to vector<16xi32>
      %sub3A_61 = arith.subi %gather3A_58, %sub3A_60 : vector<16xi32>
      %and3A_62 = arith.constant 127 : i32
      %and3A_63 = vector.broadcast %and3A_62 : i32 to vector<16xi32>
      %and3A_64 = arith.andi %sub3A_57, %and3A_63 : vector<16xi32>
      %and3A_65 = arith.constant 127 : i32
      %and3A_66 = vector.broadcast %and3A_65 : i32 to vector<16xi32>
      %and3A_67 = arith.andi %sub3A_61, %and3A_66 : vector<16xi32>
      %broadcast_in_dim3A_68 = arith.constant 0.000000e+00 : f32
      %broadcast_in_dim3A_69 = vector.broadcast %broadcast_in_dim3A_68 : f32 to vector<16xf32>
      %add3A_70 = arith.constant 0 : i32
      %add3A_71 = vector.broadcast %add3A_70 : i32 to vector<16xi32>
      %add3A_72 = arith.addi %add3A_71, %and3A_8 : vector<16xi32>
      %gather3A_73 = tpu.vector_load_idx %arg11[%broadcast_in_dim3A, %shift_right_arithmetic3A_6, %add3A_72, %and3A_64] : memref<3x4x32x128xf32, #tpu.memory_space<vmem>>[vector<16xi32>, vector<16xi32>, vector<16xi32>, vector<16xi32>], vector<16xf32>,
      %gather3A_74 = tpu.vector_load_idx %arg12[%broadcast_in_dim3A, %shift_right_arithmetic3A_6, %add3A_72, %and3A_67] : memref<3x4x32x128xf32, #tpu.memory_space<vmem>>[vector<16xi32>, vector<16xi32>, vector<16xi32>, vector<16xi32>], vector<16xf32>,
      %mul3A_75 = arith.mulf %gather3A_73, %gather3A_74 : vector<16xf32>
      %add3A_76 = arith.addf %broadcast_in_dim3A_69, %mul3A_75 : vector<16xf32>
      %add3A_77 = arith.constant 4 : i32
      %add3A_78 = vector.broadcast %add3A_77 : i32 to vector<16xi32>
      %add3A_79 = arith.addi %add3A_78, %and3A_8 : vector<16xi32>
      %gather3A_80 = tpu.vector_load_idx %arg11[%broadcast_in_dim3A, %shift_right_arithmetic3A_6, %add3A_79, %and3A_64] : memref<3x4x32x128xf32, #tpu.memory_space<vmem>>[vector<16xi32>, vector<16xi32>, vector<16xi32>, vector<16xi32>], vector<16xf32>,
      %gather3A_81 = tpu.vector_load_idx %arg12[%broadcast_in_dim3A, %shift_right_arithmetic3A_6, %add3A_79, %and3A_67] : memref<3x4x32x128xf32, #tpu.memory_space<vmem>>[vector<16xi32>, vector<16xi32>, vector<16xi32>, vector<16xi32>], vector<16xf32>,
      %mul3A_82 = arith.mulf %gather3A_80, %gather3A_81 : vector<16xf32>
      %add3A_83 = arith.addf %add3A_76, %mul3A_82 : vector<16xf32>
      %add3A_84 = arith.constant 8 : i32
      %add3A_85 = vector.broadcast %add3A_84 : i32 to vector<16xi32>
      %add3A_86 = arith.addi %add3A_85, %and3A_8 : vector<16xi32>
      %gather3A_87 = tpu.vector_load_idx %arg11[%broadcast_in_dim3A, %shift_right_arithmetic3A_6, %add3A_86, %and3A_64] : memref<3x4x32x128xf32, #tpu.memory_space<vmem>>[vector<16xi32>, vector<16xi32>, vector<16xi32>, vector<16xi32>], vector<16xf32>,
      %gather3A_88 = tpu.vector_load_idx %arg12[%broadcast_in_dim3A, %shift_right_arithmetic3A_6, %add3A_86, %and3A_67] : memref<3x4x32x128xf32, #tpu.memory_space<vmem>>[vector<16xi32>, vector<16xi32>, vector<16xi32>, vector<16xi32>], vector<16xf32>,
      %mul3A_89 = arith.mulf %gather3A_87, %gather3A_88 : vector<16xf32>
      %add3A_90 = arith.addf %add3A_83, %mul3A_89 : vector<16xf32>
      %add3A_91 = arith.constant 12 : i32
      %add3A_92 = vector.broadcast %add3A_91 : i32 to vector<16xi32>
      %add3A_93 = arith.addi %add3A_92, %and3A_8 : vector<16xi32>
      %gather3A_94 = tpu.vector_load_idx %arg11[%broadcast_in_dim3A, %shift_right_arithmetic3A_6, %add3A_93, %and3A_64] : memref<3x4x32x128xf32, #tpu.memory_space<vmem>>[vector<16xi32>, vector<16xi32>, vector<16xi32>, vector<16xi32>], vector<16xf32>,
      %gather3A_95 = tpu.vector_load_idx %arg12[%broadcast_in_dim3A, %shift_right_arithmetic3A_6, %add3A_93, %and3A_67] : memref<3x4x32x128xf32, #tpu.memory_space<vmem>>[vector<16xi32>, vector<16xi32>, vector<16xi32>, vector<16xi32>], vector<16xf32>,
      %mul3A_96 = arith.mulf %gather3A_94, %gather3A_95 : vector<16xf32>
      %add3A_97 = arith.addf %add3A_90, %mul3A_96 : vector<16xf32>
      %add3A_98 = arith.constant 16 : i32
      %add3A_99 = vector.broadcast %add3A_98 : i32 to vector<16xi32>
      %add3A_100 = arith.addi %add3A_99, %and3A_8 : vector<16xi32>
      %gather3A_101 = tpu.vector_load_idx %arg11[%broadcast_in_dim3A, %shift_right_arithmetic3A_6, %add3A_100, %and3A_64] : memref<3x4x32x128xf32, #tpu.memory_space<vmem>>[vector<16xi32>, vector<16xi32>, vector<16xi32>, vector<16xi32>], vector<16xf32>,
      %gather3A_102 = tpu.vector_load_idx %arg12[%broadcast_in_dim3A, %shift_right_arithmetic3A_6, %add3A_100, %and3A_67] : memref<3x4x32x128xf32, #tpu.memory_space<vmem>>[vector<16xi32>, vector<16xi32>, vector<16xi32>, vector<16xi32>], vector<16xf32>,
      %mul3A_103 = arith.mulf %gather3A_101, %gather3A_102 : vector<16xf32>
      %add3A_104 = arith.addf %add3A_97, %mul3A_103 : vector<16xf32>
      %add3A_105 = arith.constant 20 : i32
      %add3A_106 = vector.broadcast %add3A_105 : i32 to vector<16xi32>
      %add3A_107 = arith.addi %add3A_106, %and3A_8 : vector<16xi32>
      %gather3A_108 = tpu.vector_load_idx %arg11[%broadcast_in_dim3A, %shift_right_arithmetic3A_6, %add3A_107, %and3A_64] : memref<3x4x32x128xf32, #tpu.memory_space<vmem>>[vector<16xi32>, vector<16xi32>, vector<16xi32>, vector<16xi32>], vector<16xf32>,
      %gather3A_109 = tpu.vector_load_idx %arg12[%broadcast_in_dim3A, %shift_right_arithmetic3A_6, %add3A_107, %and3A_67] : memref<3x4x32x128xf32, #tpu.memory_space<vmem>>[vector<16xi32>, vector<16xi32>, vector<16xi32>, vector<16xi32>], vector<16xf32>,
      %mul3A_110 = arith.mulf %gather3A_108, %gather3A_109 : vector<16xf32>
      %add3A_111 = arith.addf %add3A_104, %mul3A_110 : vector<16xf32>
      %add3A_112 = arith.constant 24 : i32
      %add3A_113 = vector.broadcast %add3A_112 : i32 to vector<16xi32>
      %add3A_114 = arith.addi %add3A_113, %and3A_8 : vector<16xi32>
      %gather3A_115 = tpu.vector_load_idx %arg11[%broadcast_in_dim3A, %shift_right_arithmetic3A_6, %add3A_114, %and3A_64] : memref<3x4x32x128xf32, #tpu.memory_space<vmem>>[vector<16xi32>, vector<16xi32>, vector<16xi32>, vector<16xi32>], vector<16xf32>,
      %gather3A_116 = tpu.vector_load_idx %arg12[%broadcast_in_dim3A, %shift_right_arithmetic3A_6, %add3A_114, %and3A_67] : memref<3x4x32x128xf32, #tpu.memory_space<vmem>>[vector<16xi32>, vector<16xi32>, vector<16xi32>, vector<16xi32>], vector<16xf32>,
      %mul3A_117 = arith.mulf %gather3A_115, %gather3A_116 : vector<16xf32>
      %add3A_118 = arith.addf %add3A_111, %mul3A_117 : vector<16xf32>
      %add3A_119 = arith.constant 28 : i32
      %add3A_120 = vector.broadcast %add3A_119 : i32 to vector<16xi32>
      %add3A_121 = arith.addi %add3A_120, %and3A_8 : vector<16xi32>
      %gather3A_122 = tpu.vector_load_idx %arg11[%broadcast_in_dim3A, %shift_right_arithmetic3A_6, %add3A_121, %and3A_64] : memref<3x4x32x128xf32, #tpu.memory_space<vmem>>[vector<16xi32>, vector<16xi32>, vector<16xi32>, vector<16xi32>], vector<16xf32>,
      %gather3A_123 = tpu.vector_load_idx %arg12[%broadcast_in_dim3A, %shift_right_arithmetic3A_6, %add3A_121, %and3A_67] : memref<3x4x32x128xf32, #tpu.memory_space<vmem>>[vector<16xi32>, vector<16xi32>, vector<16xi32>, vector<16xi32>], vector<16xf32>,
      %mul3A_124 = arith.mulf %gather3A_122, %gather3A_123 : vector<16xf32>
      %add3A_125 = arith.addf %add3A_118, %mul3A_124 : vector<16xf32>
      %broadcast_in_dim3A_126 = vector.shape_cast %xor3A_10 : vector<16xi32> to vector<16x1xi32>
      %gather3A_127 = vector.shape_cast %broadcast_in_dim3A_126 : vector<16x1xi32> to vector<16xi32>
      %gather3A_128 = tpu.dynamic_gather %add3A_125[%gather3A_127] in [0] : vector<16xf32>, vector<16xi32> -> vector<16xf32>
      %add3A_129 = arith.addf %add3A_125, %gather3A_128 : vector<16xf32>
      %broadcast_in_dim3A_130 = vector.shape_cast %xor3A_13 : vector<16xi32> to vector<16x1xi32>
      %gather3A_131 = vector.shape_cast %broadcast_in_dim3A_130 : vector<16x1xi32> to vector<16xi32>
      %gather3A_132 = tpu.dynamic_gather %add3A_129[%gather3A_131] in [0] : vector<16xf32>, vector<16xi32> -> vector<16xf32>
      %add3A_133 = arith.addf %add3A_129, %gather3A_132 : vector<16xf32>
      tpu.vector_store_idx %arg13[%add3A_55], %add3A_133 masked %eq3A_15 : memref<512xf32, #tpu.memory_space<vmem>>[vector<16xi32>], vector<16xf32>, vector<16xi1>
    }
    %scan3A_35 = arith.constant 128 : i32
    %mul3A_36 = arith.constant 512 : i32
    %mul3A_37 = arith.muli %add3A, %mul3A_36 : i32
    "tpu.region"() ({
      %run_scoped3A = tpu.sem_alloc : memref<!tpu.dma_semaphore, #tpu.memory_space<semaphore_mem>>
      %dma_start3A = tpu.memref_slice %arg6[%mul3A_37] : memref<16384xf32, #tpu.memory_space<hbm>> -> memref<512xf32, #tpu.memory_space<hbm>>
      %dma_start3A_38 = tpu.memref_slice %arg6[%mul3A_37] : memref<16384xf32, #tpu.memory_space<hbm>> -> memref<512xf32, #tpu.memory_space<hbm>>
      tpu.enqueue_dma source(%arg13 : memref<512xf32, #tpu.memory_space<vmem>>) target(%dma_start3A_38 : memref<512xf32, #tpu.memory_space<hbm>>) target_semaphore(%run_scoped3A : memref<!tpu.dma_semaphore, #tpu.memory_space<semaphore_mem>>)
      %dma_wait3A = tpu.memref_slice %arg6[%mul3A_37] : memref<16384xf32, #tpu.memory_space<hbm>> -> memref<512xf32, #tpu.memory_space<hbm>>
      %dma_wait3A_39 = tpu.memref_slice %arg6[%mul3A_37] : memref<16384xf32, #tpu.memory_space<hbm>> -> memref<512xf32, #tpu.memory_space<hbm>>
      tpu.wait_dma2 semaphore(%run_scoped3A : memref<!tpu.dma_semaphore, #tpu.memory_space<semaphore_mem>>) src(%arg13 : memref<512xf32, #tpu.memory_space<vmem>>) dst(%dma_wait3A_39 : memref<512xf32, #tpu.memory_space<hbm>>)
      tpu.yield
    }) : () -> ()
    return
  }
}

</mosaic_0001>

<sc_bundles>
// kernel: kernel.3.cloned.1.call-start
scs
__scs_entry_jumppad:
0x0: {  	(pc) =	sbr.rel $0x88, $3  }
0x1: {  	(tag) =	ssettag $0x0;
	lr =	simm.s32 $0x1  }
0x2: {  	[smem:$0x3F9E] =	sst lr;
	_ =	strace $0xD0000000  }
0x3: {  	_ = 	snop  }
0x4: {  	_ = 	snop  }
0x5: {  	_ = 	snop  }
0x6: {  	_ = 	snop  }
0x7: {  	_ = 	snop  }
__scs_overlays_trampoline_lowered:
0x8: {  	[smem:$0x3FAD] =	sst s0  }
0x9: {  	[smem:$0x3FAE] =	sst s1  }
0xa: {  	[smem:$0x3FAF] =	sst s2  }
0xb: {  	[smem:$0x3FB0] =	sst s3  }
0xc: {  	[smem:$0x3FB1] =	sst s4  }
0xd: {  	[smem:$0x3FB2] =	sst s5  }
0xe: {  	[smem:$0x3FB3] =	sst s6  }
0xf: {  	[smem:$0x3FB4] =	sst s7  }
0x10: {  	[smem:$0x3FB5] =	sst s8  }
0x11: {  	[smem:$0x3FB6] =	sst s9;
	s0 =	simm.s32 @!p0 $0x0  }
0x12: {  	s1 =	sld [smem:$0x3F9C];
	s0 =	simm.s32 @p0 $0x1  }
0x13: {  	[smem:$0x3FB7] =	sst s0;
	s0 =	simm.s32 @!p1 $0x0  }
0x14: {  	s2 =	sld [smem:$0x3F9B];
	s0 =	simm.s32 @p1 $0x1  }
0x15: {  	[smem:$0x3FB8] =	sst s0;
	s0 =	simm.s32 @!p2 $0x0  }
0x16: {  	s3 =	sld [smem:$0x3FDB];
	s0 =	simm.s32 @p2 $0x1  }
0x17: {  	s4 =	simm.s32 $0x1BF5;
	[smem:$0x3FBA] =	sst s0  }
0x18: {  	s0 =	sld [smem:$0x3F9D];
	_ =	swait.ge [sflag:s4], $0x0  }
0x19: {  	s7 =	sld [smem:$0x3F9E]  }
0x1a: {  	s8 =	sadd.s32 $0xFFFFE003, lr  }
0x1b: {  	s9 =	sadd.s32 $0xFFFFFEF7, lr;
	s5 =	simm.s32 $0xFFFFFFFF;
	p2 =	slt.u32 s8, $0xFFFFF086  }
0x1c: {  	p1 =	slt.u32 s9, $0xF7A;
	s5 =	simm.s32 @!p2 $0x0  }
0x1d: {  	s5 =	simm.s32 @p1 $0x1;
	p0 =	seq.s32 s7, s2  }
0x1e: {  	s7 =	smul.u32 @!p0 $0xF7A, s2;
	p2 =	seq.s32 @!p0 s5, $0x0  }
0x1f: {  	s9 =	smul.u32 $0xF7A, s1;
	s8 =	simm.s32 @!p0 $0x1BF5;
	p2 =	por !p2, p0  }
0x20: {  	[sflag:s8] =	ssyncset.s32 @!p0 $0xFFFFF086;
	s6 =	sadd.s32 @!p0 s3, s7;
	s7 =	simm.s32 @!p0 $0x108  }
0x21: {  	s3 =	sadd.s32 s3, s9;
	s6 =	sadd.s32 @!p0 $0x88, s6;
	s7 =	simm.s32 @p2 $0x1082  }
0x22: {  	[simem:s7], [sflag:s8] =	dma.local @!p0 [hbm:s6], $0xF7A  }
0x23: {  	s9 =	sor.u32 $0xD0000000, s2;
	s6 =	simm.s32 $0x108;
	_ =	swait.ge @!p0 [sflag:s8], $0x0  }
0x24: {  	s3 =	sadd.s32 $0x88, s3;
	s6 =	simm.s32 @!p1 $0x1082;
	[sflag:s4] =	ssyncset.s32 $0xFFFFF086  }
0x25: {  	[simem:s6], [sflag:s4] =	dma.local [hbm:s3], $0xF7A  }
0x26: {  	[smem:$0x3F9E] =	sst s1;
	(tag) =	ssettag s2;
	_ =	strace s9  }
0x27: {  	s1 =	sld [smem:$0x3FAE]  }
0x28: {  	s2 =	sld [smem:$0x3FAF]  }
0x29: {  	s4 =	sld [smem:$0x3FB1]  }
0x2a: {  	p0 =	seq.s32 s5, $0x0;
	s5 =	sld [smem:$0x3FB2]  }
0x2b: {  	s6 =	sld [smem:$0x3FB3]  }
0x2c: {  	s7 =	sld [smem:$0x3FB4]  }
0x2d: {  	s3 =	simm.s32 $0x108;
	s8 =	sld [smem:$0x3FB5]  }
0x2e: {  	s3 =	simm.s32 @!p0 $0x1082;
	s9 =	sld [smem:$0x3FB6]  }
0x2f: {  	lr =	sadd.s32 s0, s3;
	s0 =	sld [smem:$0x3FAD]  }
0x30: {  	s3 =	sld [smem:$0x3FB0]  }
0x31: {  	[smem:$0x3FB9] =	sst s10  }
0x32: {  	s10 =	sld [smem:$0x3FB7];
	_ =	sdelay $0x3  }
0x33: {  	p0 =	seq.s32 s10, $0x1;
	s10 =	sld [smem:$0x3FB9];
	_ =	sdelay $0x3  }
0x34: {  	[smem:$0x3FB9] =	sst s10  }
0x35: {  	s10 =	sld [smem:$0x3FB8];
	_ =	sdelay $0x3  }
0x36: {  	p1 =	seq.s32 s10, $0x1;
	s10 =	sld [smem:$0x3FB9];
	_ =	sdelay $0x3  }
0x37: {  	[smem:$0x3FB9] =	sst s10  }
0x38: {  	s10 =	sld [smem:$0x3FBA]  }
0x39: {  	_ = 	snop;
	(pc) =	sbr.ind lr, $3  }
0x3a: {  	_ = 	snop  }
0x3b: {  	_ = 	snop  }
0x3c: {  	p2 =	seq.s32 s10, $0x1;
	s10 =	sld [smem:$0x3FB9]  }
0x3d: {  	_ =	shalt  }
0x3e: {  	_ =	shalt  }
0x3f: {  	_ =	shalt  }
0x40: {  	_ =	shalt  }
0x41: {  	_ =	shalt  }
0x42: {  	_ =	shalt  }
0x43: {  	_ =	shalt  }
0x44: {  	_ =	shalt  }
0x45: {  	_ =	shalt  }
0x46: {  	_ =	shalt  }
0x47: {  	_ =	shalt  }
0x48: {  	_ =	shalt  }
0x49: {  	_ =	shalt  }
0x4a: {  	_ =	shalt  }
0x4b: {  	_ =	shalt  }
0x4c: {  	_ =	shalt  }
0x4d: {  	_ =	shalt  }
0x4e: {  	_ =	shalt  }
0x4f: {  	_ =	shalt  }
0x50: {  	_ =	shalt  }
0x51: {  	_ =	shalt  }
0x52: {  	_ =	shalt  }
0x53: {  	_ =	shalt  }
0x54: {  	_ =	shalt  }
0x55: {  	_ =	shalt  }
0x56: {  	_ =	shalt  }
0x57: {  	_ =	shalt  }
0x58: {  	_ =	shalt  }
0x59: {  	_ =	shalt  }
0x5a: {  	_ =	shalt  }
0x5b: {  	_ =	shalt  }
0x5c: {  	_ =	shalt  }
0x5d: {  	_ =	shalt  }
0x5e: {  	_ =	shalt  }
0x5f: {  	_ =	shalt  }
0x60: {  	_ =	shalt  }
0x61: {  	_ =	shalt  }
0x62: {  	_ =	shalt  }
0x63: {  	_ =	shalt  }
0x64: {  	_ =	shalt  }
0x65: {  	_ =	shalt  }
0x66: {  	_ =	shalt  }
0x67: {  	_ =	shalt  }
0x68: {  	_ =	shalt  }
0x69: {  	_ =	shalt  }
0x6a: {  	_ =	shalt  }
0x6b: {  	_ =	shalt  }
0x6c: {  	_ =	shalt  }
0x6d: {  	_ =	shalt  }
0x6e: {  	_ =	shalt  }
0x6f: {  	_ =	shalt  }
0x70: {  	_ =	shalt  }
0x71: {  	_ =	shalt  }
0x72: {  	_ =	shalt  }
0x73: {  	_ =	shalt  }
0x74: {  	_ =	shalt  }
0x75: {  	_ =	shalt  }
0x76: {  	_ =	shalt  }
0x77: {  	_ =	shalt  }
0x78: {  	_ =	shalt  }
0x79: {  	_ =	shalt  }
0x7a: {  	_ =	shalt  }
0x7b: {  	_ =	shalt  }
0x7c: {  	_ =	shalt  }
0x7d: {  	_ =	shalt  }
0x7e: {  	_ =	shalt  }
0x7f: {  	_ =	shalt  }
0x80: {  	_ =	shalt  }
0x81: {  	_ =	shalt  }
0x82: {  	_ =	shalt  }
0x83: {  	_ =	shalt  }
0x84: {  	_ =	shalt  }
0x85: {  	_ =	shalt  }
0x86: {  	_ =	shalt  }
0x87: {  	_ =	shalt  }
.Lfunc_end0:
.L_simem_size_0:
called_computation_lowered:
.L_overlay_start_0:
0x88: {  	s2 =	sld [smem:$0x3FD9]  }
0x89: {  	s3 =	sld [smem:$0x3FFE];
	_ =	sdelay $0x1  }
0x8a: {  	s1 =	srdreg.scid  }
0x8b: {  	s0 =	sand.u32 $0x1, s1  }
0x8c: {  	s17 =	sshll.u32 s0, $0xA;
	s2 =	sadd.s32 s3, s2  }
0x8d: {  	s2 =	sadd.s32 s2, s17  }
0x8e: {  	[smem:$0x3FC5] =	sst s2  }
0x8f: {  	_ = 	snop  }
0x90: {  	s2 =	sld [smem:$0x3FC8]  }
0x91: {  	s18 =	sld [smem:$0x3FC7]  }
0x92: {  	s4 =	sld [smem:$0x3FD0];
	(tm) =	ssettm $0x1  }
0x93: {  	s5 =	sld [smem:$0x3FFB];
	_ =	sdelay $0x3  }
0x94: {  	_ =	strace s5  }
0x95: {  	s5 =	sld [smem:$0x3FFC];
	_ =	sdelay $0x3  }
0x96: {  	_ =	strace s5  }
0x97: {  	s5 =	sld [smem:$0x3FFD];
	_ =	sdelay $0x3  }
0x98: {  	_ =	strace s5  }
0x99: {  	_ =	strace $0x8FFFFFFF  }
0x9a: {  	s19 =	sld [smem:$0x3FDB];
	_ =	sdelay $0x1  }
0x9b: {  	s6 =	simm.s32 $_scs_section_size  }
0x9c: {  	s7 =	simm.s32 $_size__tile_overlayer_lowered;
	s8 =	simm.s32 $_tile_overlayer_lowered  }
0x9d: {  	s22 =	simm.s32 $0x1BFF;
	s21 =	sshll.u32 s8, $0x1;
	s5 =	sadd.s32 s6, s19  }
0x9e: {  	s9 =	simm.s32 $0x0;
	s20 =	sshll.u32 s7, $0x1;
	s7 =	sadd.s32 s21, s5  }
0x9f: {  	[timem:s9], [sflag:s22] =	dma.local [hbm:s7], s20  }
0xa0: {  	_ =	swait.ge [sflag:s22], s20  }
0xa1: {  	s6 =	ssub.s32 $0x0, s20;
	[sflag:s22] =	ssyncset.done $0x0  }
0xa2: {  	[sflag:s22] =	ssyncadd.s32 s6;
	_ =	sdelay $0x1  }
0xa3: {  	s23 =	simm.s32 $0x1B8B  }
0xa4: {  	_ =	swait.ge [sflag:s23], $0x1  }
0xa5: {  	[sflag:s23] =	ssyncset.done $0x0  }
0xa6: {  	s25 =	simm.s32 $0x1B8E;
	s24 =	sld [smem:$0x3FFE];
	[sflag:s23] =	ssyncadd.s32 $0xFFFFFFFF  }
0xa7: {  	s26 =	simm.s32 $execute0_lowered;
	[smem:$0x3FD2] =	sst s25  }
0xa8: {  	s7 =	sshll.u32 s26, $0x1;
	_ =	strace $0x80000046;
	[dreg:$0x1] =	wrdreg $0xFFFFFFFF  }
0xa9: {  	s28 =	simm.s32 $_size_execute0_lowered;
	s5 =	sadd.s32 s5, s7;
	[dreg:$0x0] =	wrdreg $0x0  }
0xaa: {  	s7 =	sshll.u32 s28, $0x1;
	[dreg:$0x2] =	wrdreg s5  }
0xab: {  	[dreg:$0x3] =	wrdreg s7  }
0xac: {  	[dreg:$0x4] =	wrdreg $0xC0  }
0xad: {  	_ =	task [dreg:s9], $0x5FFFF  }
0xae: {  	[dreg:$0x1] =	wrdreg $0xFFFFFFFF  }
0xaf: {  	[dreg:$0x0] =	wrdreg $0x60  }
0xb0: {  	[dreg:$0x2] =	wrdreg s24  }
0xb1: {  	[dreg:$0x3] =	wrdreg s2  }
0xb2: {  	[dreg:$0x4] =	wrdreg s18  }
0xb3: {  	[dreg:$0x5] =	wrdreg s4  }
0xb4: {  	[dreg:$0x6] =	wrdreg $0x9  }
0xb5: {  	_ =	task.clear_ibuf [dreg:s9], $0x7FFFF;
	_ =	strace $0x90000046  }
0xb6: {  	s29 =	simm.s32 $0x9;
	_ =	strace $0x80000048  }
0xb7: {  	_ =	swait.ge [sflag:s29], $0x1  }
0xb8: {  	[sflag:s29] =	ssyncadd.s32 $0xFFFFFFFF  }
0xb9: {  	_ =	strace $0x90000048  }
0xba: {  	_ =	sfence  }
0xbb: {  	s30 =	sld [smem:$0x0];
	_ =	sdelay $0x2  }
0xbc: {  	s31 =	sshll.u32 s1, $0xD;
	s1 =	sshrl.u32 s1, $0x2  }
0xbd: {  	s3 =	sand.u32 $0x4000, s31;
	s1 =	sadd.s32 s1, s30  }
0xbe: {  	s0 =	sor.u32 s3, s0;
	s1 =	sshll.u32 s1, $0x11  }
0xbf: {  	s0 =	sor.u32 s1, s0  }
0xc0: {  	s0 =	sadd.s32 $0x8F2B, s0  }
0xc1: {  	[sflag:s0] =	ssyncadd.remote.s32 $0x1  }
0xc2: {  	_ =	sfence.sel $0xFFFF  }
0xc3: {  	[dreg:$0x0] =	wrdreg $0xFFFFFFFF;
	(pc) =	sbr.abs _section_cstart, $3  }
0xc4: {  	[dreg:$0x1] =	wrdreg $0xFFFFFFFF  }
0xc5: {  	_ =	task.clear_ibuf [dreg:s9], $0x2FFFF;
	_ =	strace $0x9FFFFFFF  }
0xc6: {  	(tm) =	ssettm $0x7FFFFFFF  }
0xc7: {  	_ =	shalt  }
tec
execute0_lowered:
.L_overlay_start_1:
0x0: {  	(tag) =	ssettag $0x1  }
0x1: {  	v0 =	vimm.s32 $0x3180;
	vm0 =	vcmask $0x300;
	vm14 =	vcmask $0x704  }
0x2: {  	vm13 =	vcmask $0xB08;
	v1 =	vlaneseq.u32;
	vm12 =	vcmask $0xF0C  }
0x3: {  	vm1 =	vcmask $0x1310;
	vm10 =	vcmask $0x1714;
	vm11 =	vcmask $0x1B18  }
0x4: {  	vm9 =	vcmask $0x1F1C;
	vm2 =	vcmask $0x2320;
	vm8 =	vcmask $0x2724  }
0x5: {  	vm7 =	vcmask $0x2B28;
	vm6 =	vcmask $0x2F2C;
	vm3 =	vcmask $0x3330  }
0x6: {  	vm4 =	vcmask $0x3734;
	vm5 =	vcmask $0x3B38;
	v3 =	vimm.s32 $0x3580  }
0x7: {  	v4 =	vimm.s32 $0x3780;
	v5 =	vimm.s32 $0x3980;
	v6 =	vimm.s32 $0x3B80  }
0x8: {  	v7 =	vimm.s32 $0x3D80;
	v8 =	vimm.s32 $0x3F80;
	v9 =	vimm.s32 $0xEFCDAB89  }
0x9: {  	v10 =	vimm.s32 $0x67452301;
	v0 =	vsel vm0, $0x0, v0;
	v3 =	vsel vm0, $0x400, v3  }
0xa: {  	v4 =	vsel vm0, $0x600, v4;
	v5 =	vsel vm0, $0x800, v5;
	v6 =	vsel vm0, $0xA00, v6  }
0xb: {  	v7 =	vsel vm0, $0xC00, v7;
	v8 =	vsel vm0, $0xE00, v8;
	v9 =	vunpack.c.l.s4.s8 v9  }
0xc: {  	v10 =	vunpack.c.l.s4.s8 v10;
	v0 =	vsel vm14, $0x80, v0;
	v3 =	vsel vm14, $0x480, v3  }
0xd: {  	v4 =	vsel vm14, $0x680, v4;
	v5 =	vsel vm14, $0x880, v5;
	v6 =	vsel vm14, $0xA80, v6  }
0xe: {  	v7 =	vsel vm14, $0xC80, v7;
	v8 =	vsel vm14, $0xE80, v8;
	v2 =	vsel vm13, $0x100, v0  }
0xf: {  	v0 =	vshrl.u32 v1, $0x2;
	v3 =	vsel vm13, $0x500, v3;
	v4 =	vsel vm13, $0x700, v4  }
0x10: {  	v5 =	vsel vm13, $0x900, v5;
	v6 =	vsel vm13, $0xB00, v6;
	v7 =	vsel vm13, $0xD00, v7  }
0x11: {  	v8 =	vsel vm13, $0xF00, v8;
	v9 =	vunpack.c.0.s8.s32 v9;
	v10 =	vunpack.c.0.s8.s32 v10  }
0x12: {  	v1 =	vsel vm12, $0x180, v2;
	v2 =	vimm.s32 $0x3380;
	v3 =	vsel vm12, $0x580, v3  }
0x13: {  	v4 =	vsel vm12, $0x780, v4;
	v5 =	vsel vm12, $0x980, v5;
	v6 =	vsel vm12, $0xB80, v6  }
0x14: {  	v7 =	vsel vm12, $0xD80, v7;
	v8 =	vsel vm12, $0xF80, v8;
	v1 =	vsel vm1, $0x1000, v1  }
0x15: {  	v2 =	vsel vm0, $0x200, v2;
	v3 =	vsel vm1, $0x1400, v3;
	v4 =	vsel vm1, $0x1600, v4  }
0x16: {  	v5 =	vsel vm1, $0x1800, v5;
	v6 =	vsel vm1, $0x1A00, v6;
	v7 =	vsel vm1, $0x1C00, v7  }
0x17: {  	v8 =	vsel vm1, $0x1E00, v8;
	vm0 =	vmor vm0, vm1;
	v1 =	vsel vm10, $0x1080, v1  }
0x18: {  	v2 =	vsel vm14, $0x280, v2;
	v3 =	vsel vm10, $0x1480, v3;
	v4 =	vsel vm10, $0x1680, v4  }
0x19: {  	v5 =	vsel vm10, $0x1880, v5;
	v6 =	vsel vm10, $0x1A80, v6;
	v7 =	vsel vm10, $0x1C80, v7  }
0x1a: {  	v8 =	vsel vm10, $0x1E80, v8;
	vm0 =	vmor vm0, vm2;
	v1 =	vsel vm11, $0x1100, v1  }
0x1b: {  	v2 =	vsel vm13, $0x300, v2;
	v3 =	vsel vm11, $0x1500, v3;
	v4 =	vsel vm11, $0x1700, v4  }
0x1c: {  	v5 =	vsel vm11, $0x1900, v5;
	v6 =	vsel vm11, $0x1B00, v6;
	v7 =	vsel vm11, $0x1D00, v7  }
0x1d: {  	v8 =	vsel vm11, $0x1F00, v8;
	vm0 =	vmor vm0, vm3;
	v1 =	vsel vm9, $0x1180, v1  }
0x1e: {  	v2 =	vsel vm12, $0x380, v2;
	v3 =	vsel vm9, $0x1580, v3;
	v4 =	vsel vm9, $0x1780, v4  }
0x1f: {  	v5 =	vsel vm9, $0x1980, v5;
	v6 =	vsel vm9, $0x1B80, v6;
	v7 =	vsel vm9, $0x1D80, v7  }
0x20: {  	v8 =	vsel vm9, $0x1F80, v8;
	v1 =	vsel vm2, $0x2000, v1;
	v2 =	vsel vm1, $0x1200, v2  }
0x21: {  	v3 =	vsel vm2, $0x2400, v3;
	v4 =	vsel vm2, $0x2600, v4;
	v5 =	vsel vm2, $0x2800, v5  }
0x22: {  	v6 =	vsel vm2, $0x2A00, v6;
	v7 =	vsel vm2, $0x2C00, v7;
	v8 =	vsel vm2, $0x2E00, v8  }
0x23: {  	v1 =	vsel vm8, $0x2080, v1;
	v2 =	vsel vm10, $0x1280, v2;
	v3 =	vsel vm8, $0x2480, v3  }
0x24: {  	v4 =	vsel vm8, $0x2680, v4;
	v5 =	vsel vm8, $0x2880, v5;
	v6 =	vsel vm8, $0x2A80, v6  }
0x25: {  	v7 =	vsel vm8, $0x2C80, v7;
	v8 =	vsel vm8, $0x2E80, v8;
	v1 =	vsel vm7, $0x2100, v1  }
0x26: {  	v2 =	vsel vm11, $0x1300, v2;
	v3 =	vsel vm7, $0x2500, v3;
	v4 =	vsel vm7, $0x2700, v4  }
0x27: {  	v5 =	vsel vm7, $0x2900, v5;
	v6 =	vsel vm7, $0x2B00, v6;
	v7 =	vsel vm7, $0x2D00, v7  }
0x28: {  	v1 =	vsel vm6, $0x2180, v1;
	v2 =	vsel vm9, $0x1380, v2;
	v3 =	vsel vm6, $0x2580, v3  }
0x29: {  	v4 =	vsel vm6, $0x2780, v4;
	v5 =	vsel vm6, $0x2980, v5;
	v6 =	vsel vm6, $0x2B80, v6  }
0x2a: {  	s3 =	rddreg [dreg:$0x0];
	v7 =	vsel vm6, $0x2D80, v7;
	v1 =	vsel vm3, $0x3000, v1;
	v2 =	vsel vm2, $0x2200, v2  }
0x2b: {  	s0 =	rddreg [dreg:$0x1];
	v3 =	vsel vm3, $0x3400, v3;
	v4 =	vsel vm3, $0x3600, v4;
	v5 =	vsel vm3, $0x3800, v5  }
0x2c: {  	s1 =	rddreg [dreg:$0x2];
	s4 =	srdreg.scid;
	v6 =	vsel vm3, $0x3A00, v6;
	v12 =	vsel vm3, $0x3C00, v7;
	v7 =	vsel vm7, $0x2F00, v8  }
0x2d: {  	s2 =	stileid.u32;
	s7 =	rddreg [dreg:$0x3];
	v8 =	vimm.s32 $0xDCFE98BA;
	v1 =	vsel vm4, $0x3080, v1;
	v2 =	vsel vm8, $0x2280, v2  }
0x2e: {  	s10 =	simm.s32 $0x400;
	s11 =	simm.s32 $0x4;
	s12 =	simm.s32 $0x200;
	v3 =	vsel vm4, $0x3480, v3;
	v4 =	vsel vm4, $0x3680, v4;
	v5 =	vsel vm4, $0x3880, v5  }
0x2f: {  	s13 =	simm.s32 $0x7A1400;
	s5 =	sand.u32 $0x1, s4;
	s6 =	sshll.u32 s2, $0x1;
	v11 =	vsel vm4, $0x3A80, v6;
	v6 =	vcombine.low v10, v9;
	v9 =	vimm.s32 $0x54761032  }
0x30: {  	s14 =	simm.s32 $0xC400;
	s15 =	simm.s32 $0x18400;
	s6 =	sor.u32 s5, s6;
	v10 =	vsel vm6, $0x2F80, v7;
	v8 =	vunpack.c.l.s4.s8 v8;
	v1 =	vsel vm5, $0x3100, v1  }
0x31: {  	s16 =	simm.s32 $0x0;
	s8 =	sshll.u32 s2, $0x7;
	s9 =	sshll.u32 s6, $0x4;
	v2 =	vsel vm7, $0x2300, v2;
	v3 =	vsel vm5, $0x3500, v3;
	v4 =	vsel vm5, $0x3700, v4  }
.Ltmp0:
0x32: {  	s4 =	simm.s32 $0x0;
	s8 =	sor.u32 s8, s9;
	v5 =	vsel vm5, $0x3900, v5;
	v9 =	vunpack.c.l.s4.s8 v9;
	v7 =	vsel vm5, $0x3B00, v11;
	(pc) =	sbr.rel .LBB2_1-.Ltmp0, $4  }
0x33: {  	[smem:$0x7FF] =	sst s4;
	s26 =	ssub.s32 $0x2, s5;
	s28 =	sand.u32 $0x670, s8;
	v11 =	vsel vm4, $0x3C80, v12;
	v10 =	vsel vm3, $0x3E00, v10;
	v2 =	vsel vm6, $0x2380, v2  }
0x34: {  	_ =	strace $0x80000047;
	s29 =	sshrl.u32 s26, $0x1;
	s5 =	sadd.s32 s3, s28;
	v63 =	vunpack.c.0.s8.s32 v8;
	v2 =	vsel vm3, $0x3200, v2;
	v13 =	vunpack.c.0.s8.s32 v9  }
0x35: {  	s30 =	sshll.u32 s6, $0x6;
	s8 =	ssub.s32 s26, s29;
	s31 =	sadd.s32 $0x800, s5;
	v8 =	vsel vm5, $0x3D00, v11;
	v9 =	vsel vm4, $0x3E80, v10;
	v2 =	vsel vm4, $0x3280, v2  }
0x36: {  	s7 =	sadd.s32 s7, s30;
	s8 =	smax.u32 s8, $0x1;
	[dreg:$0x5] =	wrdreg s31;
	v9 =	vsel vm5, $0x3F00, v9;
	v2 =	vsel vm5, $0x3300, v2;
	v10 =	vcombine.low v13, v63  }
.LBB2_13:
0x37: {  	s16 =	sadd.s32 $0x1, s16  }
0x38: {  	p0 =	sne.s32 s16, s8  }
.Ltmp1:
0x39: {  	_ = 	snop;
	(pc) =	sbr.rel @!p0 .LBB2_14-.Ltmp1, $4  }
0x3a: {  	[hbm4b:s7+s4] =	stream.linear.scatter [tilespmem:s15], [sflag:$0x4], $0x200, $0x38;
	[tilespmem:$0x18600] =	vst v63  }
0x3b: {  	_ =	swait.ge [sflag:s11], $0x200  }
0x3c: {  	[sflag:s11] =	ssyncset.done $0x0  }
0x3d: {  	[sflag:s11] =	ssyncadd.s32 $0xFFFFFE00  }
.LBB2_1:
0x3e: {  	s2 =	rddreg [dreg:$0x5];
	s3 =	simm.s32 $0x80  }
0x3f: {  	[tilespmem:s4], [sflag:$0x4] =	stream.strided.gather [hbm4b:s2+s3], $0x200, s10, s3, $0x38;
	[tilespmem:$0x18600] =	vst v63  }
0x40: {  	_ =	swait.ge [sflag:s11], $0x200  }
0x41: {  	[sflag:s11] =	ssyncset.done $0x0  }
0x42: {  	[sflag:s11] =	ssyncadd.s32 $0xFFFFFE00  }
0x43: {  	[tilespmem:s12], [sflag:$0x4] =	stream.strided.gather [hbm4b:s5+s3], $0x200, s10, s3, $0x38;
	[tilespmem:$0x18600] =	vst v63  }
0x44: {  	_ =	swait.ge [sflag:s11], $0x200  }
0x45: {  	[sflag:s11] =	ssyncset.done $0x0  }
0x46: {  	s17 =	simm.s32 $0x0;
	[sflag:s11] =	ssyncadd.s32 $0xFFFFFE00  }
0x47: {  	v13 =	vld [tilespmem:s17+$0x0]  }
0x48: {  	v14 =	vld [tilespmem:s17+$0x200];
	_ =	sdelay $0x3  }
0x49: {  	(v2sf) =	vpush v13, $0x0  }
0x4a: {  	(v2sf) =	vpush v14, $0x0;
	_ =	sdelay $0x1  }
0x4b: {  	(v2sf) =	vpush v13, $0x1  }
0x4c: {  	(v2sf) =	vpush v14, $0x1  }
0x4d: {  	(v2sf) =	vpush v13, $0x2  }
0x4e: {  	(v2sf) =	vpush v14, $0x2  }
0x4f: {  	(v2sf) =	vpush v13, $0x3  }
0x50: {  	(v2sf) =	vpush v14, $0x3  }
0x51: {  	(v2sf) =	vpush v13, $0x4  }
0x52: {  	(v2sf) =	vpush v14, $0x4  }
0x53: {  	(v2sf) =	vpush v13, $0x5  }
0x54: {  	(v2sf) =	vpush v14, $0x5  }
0x55: {  	(v2sf) =	vpush v13, $0x6  }
0x56: {  	(v2sf) =	vpush v14, $0x6  }
0x57: {  	(v2sf) =	vpush v13, $0x7;
	s30 =	spop (v2sf)  }
0x58: {  	(v2sf) =	vpush v14, $0x7;
	[smem:s17] =	sst s30;
	s31 =	spop (v2sf)  }
0x59: {  	(v2sf) =	vpush v13, $0x8;
	[smem:$0x200] =	sst s31  }
0x5a: {  	s3 =	spop (v2sf)  }
0x5b: {  	(v2sf) =	vpush v14, $0x8;
	[smem:$0x1] =	sst s3  }
0x5c: {  	s3 =	spop (v2sf)  }
0x5d: {  	(v2sf) =	vpush v13, $0x9;
	[smem:$0x201] =	sst s3  }
0x5e: {  	s3 =	spop (v2sf)  }
0x5f: {  	(v2sf) =	vpush v14, $0x9;
	[smem:$0x2] =	sst s3  }
0x60: {  	s3 =	spop (v2sf)  }
0x61: {  	(v2sf) =	vpush v13, $0xA;
	[smem:$0x202] =	sst s3  }
0x62: {  	s3 =	spop (v2sf)  }
0x63: {  	(v2sf) =	vpush v14, $0xA;
	[smem:$0x3] =	sst s3  }
0x64: {  	s3 =	spop (v2sf)  }
0x65: {  	(v2sf) =	vpush v13, $0xB;
	[smem:$0x203] =	sst s3  }
0x66: {  	s3 =	spop (v2sf)  }
0x67: {  	(v2sf) =	vpush v14, $0xB;
	[smem:$0x4] =	sst s3  }
0x68: {  	s3 =	spop (v2sf)  }
0x69: {  	(v2sf) =	vpush v13, $0xC;
	[smem:$0x204] =	sst s3  }
0x6a: {  	s3 =	spop (v2sf)  }
0x6b: {  	(v2sf) =	vpush v14, $0xC;
	[smem:$0x5] =	sst s3  }
0x6c: {  	s3 =	spop (v2sf)  }
0x6d: {  	(v2sf) =	vpush v13, $0xD;
	[smem:$0x205] =	sst s3  }
0x6e: {  	s18 =	simm.s32 $0x10;
	s3 =	spop (v2sf)  }
0x6f: {  	(v2sf) =	vpush v14, $0xD;
	v11 =	vld [tilespmem:s18+$0x0];
	[smem:$0x6] =	sst s3  }
0x70: {  	s3 =	spop (v2sf)  }
0x71: {  	(v2sf) =	vpush v13, $0xE;
	v12 =	vld [tilespmem:s18+$0x200];
	[smem:$0x206] =	sst s3  }
0x72: {  	s3 =	spop (v2sf)  }
0x73: {  	(v2sf) =	vpush v14, $0xE;
	[smem:$0x7] =	sst s3  }
0x74: {  	s3 =	spop (v2sf)  }
0x75: {  	(v2sf) =	vpush v13, $0xF;
	[smem:$0x207] =	sst s3  }
0x76: {  	s3 =	spop (v2sf)  }
0x77: {  	(v2sf) =	vpush v14, $0xF;
	[smem:$0x8] =	sst s3  }
0x78: {  	s3 =	spop (v2sf)  }
0x79: {  	(v2sf) =	vpush v11, $0x0;
	[smem:$0x208] =	sst s3  }
0x7a: {  	s3 =	spop (v2sf)  }
0x7b: {  	(v2sf) =	vpush v12, $0x0;
	[smem:$0x9] =	sst s3  }
0x7c: {  	s3 =	spop (v2sf)  }
0x7d: {  	(v2sf) =	vpush v11, $0x1;
	[smem:$0x209] =	sst s3  }
0x7e: {  	s3 =	spop (v2sf)  }
0x7f: {  	(v2sf) =	vpush v12, $0x1;
	[smem:$0xA] =	sst s3  }
0x80: {  	s3 =	spop (v2sf)  }
0x81: {  	(v2sf) =	vpush v11, $0x2;
	[smem:$0x20A] =	sst s3  }
0x82: {  	s3 =	spop (v2sf)  }
0x83: {  	(v2sf) =	vpush v12, $0x2;
	[smem:$0xB] =	sst s3  }
0x84: {  	s3 =	spop (v2sf)  }
0x85: {  	(v2sf) =	vpush v11, $0x3;
	[smem:$0x20B] =	sst s3  }
0x86: {  	s3 =	spop (v2sf)  }
0x87: {  	(v2sf) =	vpush v12, $0x3;
	[smem:$0xC] =	sst s3  }
0x88: {  	s3 =	spop (v2sf)  }
0x89: {  	(v2sf) =	vpush v11, $0x4;
	[smem:$0x20C] =	sst s3  }
0x8a: {  	s3 =	spop (v2sf)  }
0x8b: {  	(v2sf) =	vpush v12, $0x4;
	[smem:$0xD] =	sst s3  }
0x8c: {  	s3 =	spop (v2sf)  }
0x8d: {  	(v2sf) =	vpush v11, $0x5;
	[smem:$0x20D] =	sst s3  }
0x8e: {  	s3 =	spop (v2sf)  }
0x8f: {  	(v2sf) =	vpush v12, $0x5;
	[smem:$0xE] =	sst s3  }
0x90: {  	s3 =	spop (v2sf)  }
0x91: {  	(v2sf) =	vpush v11, $0x6;
	[smem:$0x20E] =	sst s3  }
0x92: {  	s3 =	spop (v2sf)  }
0x93: {  	(v2sf) =	vpush v12, $0x6;
	[smem:$0xF] =	sst s3  }
0x94: {  	s19 =	simm.s32 $0x80;
	s3 =	spop (v2sf)  }
.LBB2_2:
0x95: {  	p0 =	sne.s32 s19, $0x7C0;
	[smem:s17+$0x20F] =	sst s3  }
0x96: {  	(v2sf) =	vpush v11, $0x7;
	s3 =	smov.u32 s19;
	s19 =	sadd.s32 $0x40, s19;
	s17 =	smov.u32 s18  }
0x97: {  	s18 =	spop (v2sf);
	(v2sf) =	vpush v12, $0x7  }
0x98: {  	[smem:s17] =	sst s18;
	s18 =	spop (v2sf);
	(v2sf) =	vpush v11, $0x8  }
0x99: {  	[smem:s17+$0x200] =	sst s18;
	s18 =	spop (v2sf);
	(v2sf) =	vpush v12, $0x8  }
0x9a: {  	[smem:s17+$0x1] =	sst s18;
	s18 =	spop (v2sf);
	(v2sf) =	vpush v11, $0x9  }
0x9b: {  	[smem:s17+$0x201] =	sst s18;
	s18 =	spop (v2sf);
	(v2sf) =	vpush v12, $0x9  }
0x9c: {  	[smem:s17+$0x2] =	sst s18;
	s18 =	spop (v2sf);
	(v2sf) =	vpush v11, $0xA  }
0x9d: {  	[smem:s17+$0x202] =	sst s18;
	s18 =	spop (v2sf);
	(v2sf) =	vpush v12, $0xA  }
0x9e: {  	[smem:s17+$0x3] =	sst s18;
	s18 =	spop (v2sf);
	(v2sf) =	vpush v11, $0xB  }
0x9f: {  	[smem:s17+$0x203] =	sst s18;
	s18 =	spop (v2sf);
	(v2sf) =	vpush v12, $0xB  }
0xa0: {  	[smem:s17+$0x4] =	sst s18;
	s18 =	spop (v2sf);
	(v2sf) =	vpush v11, $0xC  }
0xa1: {  	[smem:s17+$0x204] =	sst s18;
	s18 =	spop (v2sf);
	(v2sf) =	vpush v12, $0xC  }
0xa2: {  	[smem:s17+$0x5] =	sst s18;
	s20 =	spop (v2sf);
	(v2sf) =	vpush v11, $0xD  }
0xa3: {  	s18 =	sshra.s32 s3, $0x2;
	[smem:s17+$0x205] =	sst s20;
	s3 =	spop (v2sf);
	(v2sf) =	vpush v12, $0xD  }
0xa4: {  	v13 =	vld [tilespmem:s18+$0x0];
	[smem:s17+$0x6] =	sst s3;
	s3 =	spop (v2sf);
	(v2sf) =	vpush v11, $0xE  }
0xa5: {  	v14 =	vld [tilespmem:s18+$0x200];
	[smem:s17+$0x206] =	sst s3;
	s3 =	spop (v2sf);
	(v2sf) =	vpush v12, $0xE  }
0xa6: {  	[smem:s17+$0x7] =	sst s3;
	s3 =	spop (v2sf);
	(v2sf) =	vpush v11, $0xF  }
0xa7: {  	[smem:s17+$0x207] =	sst s3;
	s3 =	spop (v2sf);
	(v2sf) =	vpush v12, $0xF  }
0xa8: {  	[smem:s17+$0x8] =	sst s3;
	s3 =	spop (v2sf)  }
0xa9: {  	(v2sf) =	vpush v13, $0x0;
	[smem:s17+$0x208] =	sst s3;
	s3 =	spop (v2sf);
	v11 =	vmov v13  }
0xaa: {  	(v2sf) =	vpush v14, $0x0;
	[smem:s17+$0x9] =	sst s3;
	s3 =	spop (v2sf);
	v12 =	vmov v14  }
0xab: {  	(v2sf) =	vpush v11, $0x1;
	[smem:s17+$0x209] =	sst s3;
	s3 =	spop (v2sf)  }
0xac: {  	(v2sf) =	vpush v12, $0x1;
	[smem:s17+$0xA] =	sst s3;
	s3 =	spop (v2sf)  }
0xad: {  	(v2sf) =	vpush v11, $0x2;
	[smem:s17+$0x20A] =	sst s3;
	s3 =	spop (v2sf)  }
0xae: {  	(v2sf) =	vpush v12, $0x2;
	[smem:s17+$0xB] =	sst s3;
	s3 =	spop (v2sf)  }
0xaf: {  	(v2sf) =	vpush v11, $0x3;
	[smem:s17+$0x20B] =	sst s3;
	s3 =	spop (v2sf)  }
0xb0: {  	(v2sf) =	vpush v12, $0x3;
	[smem:s17+$0xC] =	sst s3;
	s3 =	spop (v2sf)  }
0xb1: {  	(v2sf) =	vpush v11, $0x4;
	[smem:s17+$0x20C] =	sst s3;
	s3 =	spop (v2sf)  }
0xb2: {  	[smem:s17+$0xD] =	sst s3  }
.Ltmp2:
0xb3: {  	(v2sf) =	vpush v12, $0x4;
	s3 =	spop (v2sf);
	(pc) =	sbr.rel @p0 .LBB2_2-.Ltmp2, $4  }
0xb4: {  	(v2sf) =	vpush v11, $0x5;
	[smem:s17+$0x20D] =	sst s3;
	s3 =	spop (v2sf)  }
0xb5: {  	(v2sf) =	vpush v12, $0x5;
	[smem:s17+$0xE] =	sst s3;
	s3 =	spop (v2sf)  }
0xb6: {  	(v2sf) =	vpush v11, $0x6;
	[smem:s17+$0x20E] =	sst s3;
	s3 =	spop (v2sf)  }
0xb7: {  	(v2sf) =	vpush v12, $0x6;
	[smem:s17+$0xF] =	sst s3;
	s3 =	spop (v2sf)  }
0xb8: {  	(v2sf) =	vpush v11, $0x7  }
0xb9: {  	[smem:s17+$0x20F] =	sst s3;
	s29 =	spop (v2sf);
	(v2sf) =	vpush v12, $0x7  }
0xba: {  	[smem:s18] =	sst s29;
	s30 =	spop (v2sf);
	(v2sf) =	vpush v11, $0x8  }
0xbb: {  	[smem:s18+$0x200] =	sst s30;
	s31 =	spop (v2sf);
	(v2sf) =	vpush v12, $0x8  }
0xbc: {  	[smem:s18+$0x1] =	sst s31;
	s2 =	spop (v2sf);
	(v2sf) =	vpush v11, $0x9  }
0xbd: {  	[smem:s18+$0x201] =	sst s2;
	s6 =	spop (v2sf);
	(v2sf) =	vpush v12, $0x9  }
0xbe: {  	[smem:s18+$0x2] =	sst s6;
	s9 =	spop (v2sf);
	(v2sf) =	vpush v11, $0xA  }
0xbf: {  	[smem:s18+$0x202] =	sst s9;
	s17 =	spop (v2sf);
	(v2sf) =	vpush v12, $0xA  }
0xc0: {  	[smem:s18+$0x3] =	sst s17;
	s19 =	spop (v2sf);
	(v2sf) =	vpush v11, $0xB  }
0xc1: {  	[smem:s18+$0x203] =	sst s19;
	s20 =	spop (v2sf);
	(v2sf) =	vpush v12, $0xB  }
0xc2: {  	[smem:s18+$0x4] =	sst s20;
	s21 =	spop (v2sf);
	(v2sf) =	vpush v11, $0xC  }
0xc3: {  	[smem:s18+$0x204] =	sst s21;
	s22 =	spop (v2sf);
	(v2sf) =	vpush v12, $0xC  }
0xc4: {  	[smem:s18+$0x5] =	sst s22;
	s23 =	spop (v2sf);
	(v2sf) =	vpush v11, $0xD  }
0xc5: {  	[smem:s18+$0x205] =	sst s23;
	s24 =	spop (v2sf);
	(v2sf) =	vpush v12, $0xD  }
0xc6: {  	[smem:s18+$0x6] =	sst s24;
	s25 =	spop (v2sf);
	(v2sf) =	vpush v11, $0xE  }
0xc7: {  	[smem:s18+$0x206] =	sst s25;
	s26 =	spop (v2sf);
	(v2sf) =	vpush v12, $0xE  }
0xc8: {  	[smem:s18+$0x7] =	sst s26;
	s28 =	spop (v2sf);
	(v2sf) =	vpush v11, $0xF  }
0xc9: {  	[smem:s18+$0x207] =	sst s28;
	s29 =	spop (v2sf);
	(v2sf) =	vpush v12, $0xF  }
0xca: {  	[smem:s18+$0x8] =	sst s29;
	s30 =	spop (v2sf)  }
0xcb: {  	[smem:s18+$0x208] =	sst s30;
	s31 =	spop (v2sf)  }
0xcc: {  	[smem:s18+$0x9] =	sst s31;
	s2 =	spop (v2sf)  }
0xcd: {  	[smem:s18+$0x209] =	sst s2;
	s6 =	spop (v2sf)  }
0xce: {  	[smem:s18+$0xA] =	sst s6;
	s9 =	spop (v2sf)  }
0xcf: {  	[smem:s18+$0x20A] =	sst s9;
	s17 =	spop (v2sf)  }
0xd0: {  	[smem:s18+$0xB] =	sst s17;
	s19 =	spop (v2sf)  }
0xd1: {  	[smem:s18+$0x20B] =	sst s19;
	s20 =	spop (v2sf)  }
0xd2: {  	[smem:s18+$0xC] =	sst s20;
	s21 =	spop (v2sf)  }
0xd3: {  	[smem:s18+$0x20C] =	sst s21;
	s22 =	spop (v2sf)  }
0xd4: {  	[smem:s18+$0xD] =	sst s22;
	s23 =	spop (v2sf)  }
0xd5: {  	[smem:s18+$0x20D] =	sst s23;
	s24 =	spop (v2sf)  }
0xd6: {  	[smem:s18+$0xE] =	sst s24;
	s25 =	spop (v2sf)  }
0xd7: {  	[smem:s18+$0x20E] =	sst s25;
	s26 =	spop (v2sf)  }
0xd8: {  	[smem:s18+$0xF] =	sst s26;
	s28 =	spop (v2sf)  }
0xd9: {  	[smem:s18+$0x20F] =	sst s28  }
0xda: {  	s3 =	sld [smem:$0x0];
	_ =	sdelay $0x2  }
0xdb: {  	s30 =	sld [smem:$0x200];
	s3 =	sadd.s32 $0xFFFFFFFF, s3  }
0xdc: {  	s29 =	sshra.s32 s3, $0x1F  }
0xdd: {  	s17 =	sshrl.u32 s29, $0x19  }
0xde: {  	s20 =	simm.s32 $0x1;
	s22 =	sadd.s32 $0xFFFFFFFF, s30;
	s3 =	sadd.s32 s17, s3  }
0xdf: {  	s21 =	sld [smem:$0x1];
	s19 =	sshra.s32 s22, $0x1F;
	s3 =	sand.u32 $0xFFFFF80, s3  }
0xe0: {  	s17 =	simm.s32 $0x400;
	s31 =	sshrl.u32 s19, $0x19;
	s3 =	sadd.s32 s0, s3  }
0xe1: {  	[tilespmem:s17], [sflag:$0x1] =	stream.strided.gather [hbm4b:s3+s10], $0x1000, s13, s10, $0x38;
	[tilespmem:$0x18600] =	vst v63  }
0xe2: {  	s18 =	simm.s32 $0xC400;
	s19 =	simm.s32 $0x8;
	s3 =	sadd.s32 s31, s22  }
.LBB2_4:
0xe3: {  	p0 =	sne.s32 s19, $0xC;
	s21 =	sadd.s32 $0xFFFFFFFF, s21;
	s3 =	sand.u32 $0xFFFFF80, s3  }
0xe4: {  	s22 =	sshra.s32 s21, $0x1F;
	s20 =	sld [smem:s20+$0x200];
	s3 =	sadd.s32 s1, s3  }
0xe5: {  	[tilespmem:s18], [sflag:$0x1] =	stream.strided.gather [hbm4b:s3+s10], $0x1000, s13, s10, $0x38;
	[tilespmem:$0x18600] =	vst v63  }
0xe6: {  	s17 =	sadd.s32 $0x1000, s17;
	s3 =	sshrl.u32 s22, $0x19  }
.Ltmp3:
0xe7: {  	s3 =	sadd.s32 s3, s21;
	s22 =	sadd.s32 $0xFFFFFFFF, s20;
	(pc) =	sbr.rel @p0 .LBB2_4-.Ltmp3, $4  }
0xe8: {  	s20 =	sshra.s32 s19, $0x2;
	s3 =	sand.u32 $0xFFFFF80, s3;
	s23 =	sshra.s32 s22, $0x1F  }
0xe9: {  	s3 =	sadd.s32 s0, s3;
	s21 =	sld [smem:s20+$0x0];
	s23 =	sshrl.u32 s23, $0x19  }
0xea: {  	[tilespmem:s17], [sflag:$0x1] =	stream.strided.gather [hbm4b:s3+s10], $0x1000, s13, s10, $0x38;
	[tilespmem:$0x18600] =	vst v63  }
0xeb: {  	s18 =	sadd.s32 $0x1000, s18;
	s19 =	sadd.s32 $0x4, s19;
	s3 =	sadd.s32 s23, s22  }
0xec: {  	s19 =	sadd.s32 $0xFFFFFFFF, s21;
	s3 =	sand.u32 $0xFFFFF80, s3  }
0xed: {  	s20 =	sld [smem:s20+$0x200];
	s21 =	sshra.s32 s19, $0x1F;
	s3 =	sadd.s32 s1, s3  }
0xee: {  	[tilespmem:s18], [sflag:$0x1] =	stream.strided.gather [hbm4b:s3+s10], $0x1000, s13, s10, $0x38;
	[tilespmem:$0x18600] =	vst v63  }
0xef: {  	s23 =	sshrl.u32 s21, $0x19  }
0xf0: {  	s3 =	sadd.s32 s23, s19;
	s24 =	sadd.s32 $0xFFFFFFFF, s20  }
0xf1: {  	s3 =	sand.u32 $0xFFFFF80, s3;
	s20 =	sshra.s32 s24, $0x1F  }
0xf2: {  	s17 =	sadd.s32 $0x1000, s17;
	s3 =	sadd.s32 s0, s3;
	s20 =	sshrl.u32 s20, $0x19  }
0xf3: {  	[tilespmem:s17], [sflag:$0x1] =	stream.strided.gather [hbm4b:s3+s10], $0x1000, s13, s10, $0x38;
	[tilespmem:$0x18600] =	vst v63  }
0xf4: {  	s25 =	sadd.s32 s20, s24  }
0xf5: {  	s3 =	sand.u32 $0xFFFFF80, s25  }
0xf6: {  	s26 =	sadd.s32 $0x1000, s18;
	s3 =	sadd.s32 s1, s3  }
0xf7: {  	[tilespmem:s26], [sflag:$0x1] =	stream.strided.gather [hbm4b:s3+s10], $0x1000, s13, s10, $0x38;
	[tilespmem:$0x18600] =	vst v63  }
0xf8: {  	s3 =	sld [smem:$0x4];
	_ =	sdelay $0x2  }
0xf9: {  	s29 =	sld [smem:$0x204];
	s3 =	sadd.s32 $0xFFFFFFFF, s3  }
0xfa: {  	s28 =	sshra.s32 s3, $0x1F  }
0xfb: {  	s17 =	sshrl.u32 s28, $0x19  }
0xfc: {  	s18 =	simm.s32 $0x10400;
	s22 =	sadd.s32 $0xFFFFFFFF, s29;
	s3 =	sadd.s32 s17, s3  }
0xfd: {  	s21 =	sld [smem:$0x5];
	s30 =	sshra.s32 s22, $0x1F;
	s3 =	sand.u32 $0xFFFFF80, s3  }
0xfe: {  	s17 =	simm.s32 $0x4400;
	s31 =	sshrl.u32 s30, $0x19;
	s3 =	sadd.s32 s0, s3  }
0xff: {  	[tilespmem:s17], [sflag:$0x2] =	stream.strided.gather [hbm4b:s3+s10], $0x1000, s13, s10, $0x38;
	[tilespmem:$0x18600] =	vst v63  }
0x100: {  	s19 =	simm.s32 $0x8;
	s20 =	simm.s32 $0x1;
	s3 =	sadd.s32 s31, s22  }
.LBB2_6:
0x101: {  	p0 =	sne.s32 s19, $0xC;
	s21 =	sadd.s32 $0xFFFFFFFF, s21;
	s3 =	sand.u32 $0xFFFFF80, s3  }
0x102: {  	s22 =	sshra.s32 s21, $0x1F;
	s20 =	sld [smem:s20+$0x204];
	s3 =	sadd.s32 s1, s3  }
0x103: {  	[tilespmem:s18], [sflag:$0x2] =	stream.strided.gather [hbm4b:s3+s10], $0x1000, s13, s10, $0x38;
	[tilespmem:$0x18600] =	vst v63  }
0x104: {  	s17 =	sadd.s32 $0x1000, s17;
	s3 =	sshrl.u32 s22, $0x19  }
.Ltmp4:
0x105: {  	s3 =	sadd.s32 s3, s21;
	s22 =	sadd.s32 $0xFFFFFFFF, s20;
	(pc) =	sbr.rel @p0 .LBB2_6-.Ltmp4, $4  }
0x106: {  	s20 =	sshra.s32 s19, $0x2;
	s3 =	sand.u32 $0xFFFFF80, s3;
	s23 =	sshra.s32 s22, $0x1F  }
0x107: {  	s3 =	sadd.s32 s0, s3;
	s21 =	sld [smem:s20+$0x4];
	s23 =	sshrl.u32 s23, $0x19  }
0x108: {  	[tilespmem:s17], [sflag:$0x2] =	stream.strided.gather [hbm4b:s3+s10], $0x1000, s13, s10, $0x38;
	[tilespmem:$0x18600] =	vst v63  }
0x109: {  	s18 =	sadd.s32 $0x1000, s18;
	s19 =	sadd.s32 $0x4, s19;
	s3 =	sadd.s32 s23, s22  }
0x10a: {  	s19 =	sadd.s32 $0xFFFFFFFF, s21;
	s3 =	sand.u32 $0xFFFFF80, s3  }
0x10b: {  	s20 =	sld [smem:s20+$0x204];
	s21 =	sshra.s32 s19, $0x1F;
	s3 =	sadd.s32 s1, s3  }
0x10c: {  	[tilespmem:s18], [sflag:$0x2] =	stream.strided.gather [hbm4b:s3+s10], $0x1000, s13, s10, $0x38;
	[tilespmem:$0x18600] =	vst v63  }
0x10d: {  	s28 =	sshrl.u32 s21, $0x19  }
0x10e: {  	s3 =	sadd.s32 s28, s19  }
0x10f: {  	s29 =	sadd.s32 $0xFFFFFFFF, s20;
	s3 =	sand.u32 $0xFFFFF80, s3  }
0x110: {  	s17 =	sadd.s32 $0x1000, s17;
	s20 =	sshra.s32 s29, $0x1F;
	s3 =	sadd.s32 s0, s3  }
0x111: {  	[tilespmem:s17], [sflag:$0x2] =	stream.strided.gather [hbm4b:s3+s10], $0x1000, s13, s10, $0x38;
	[tilespmem:$0x18600] =	vst v63  }
.Ltmp5:
0x112: {  	s31 =	sadd.s32 $0x1000, s18;
	s20 =	sshrl.u32 s20, $0x19;
	(pc) =	sbr.rel .LBB2_8-.Ltmp5, $4  }
0x113: {  	s22 =	simm.s32 $0x208;
	s18 =	simm.s32 $0x14400;
	s30 =	sadd.s32 s20, s29  }
0x114: {  	s21 =	simm.s32 $0x8;
	s19 =	simm.s32 $0x2;
	s3 =	sand.u32 $0xFFFFF80, s30  }
0x115: {  	s17 =	simm.s32 $0x0;
	s20 =	simm.s32 $0x8400;
	s3 =	sadd.s32 s1, s3  }
0x116: {  	[tilespmem:s31], [sflag:$0x2] =	stream.strided.gather [hbm4b:s3+s10], $0x1000, s13, s10, $0x38;
	[tilespmem:$0x18600] =	vst v63  }
.LBB2_12:
0x117: {  	s2 =	smulhi.u32 $0xAAAAAAAB, s17;
	_ =	sdelay $0x1  }
0x118: {  	s2 =	sshrl.u32 s2, $0x1  }
0x119: {  	s2 =	smul.u32 $0x3, s2;
	_ =	sdelay $0x1  }
0x11a: {  	s2 =	ssub.s32 s17, s2  }
0x11b: {  	s3 =	sadd.s32 $0x1, s2  }
0x11c: {  	_ =	swait.ge [sflag:s3], $0x1000  }
0x11d: {  	[sflag:s3] =	ssyncset.done $0x0  }
0x11e: {  	[sflag:s3] =	ssyncadd.s32 $0xFFFFF000  }
0x11f: {  	_ =	swait.ge [sflag:s3], $0x1000  }
0x120: {  	[sflag:s3] =	ssyncset.done $0x0  }
0x121: {  	[sflag:s3] =	ssyncadd.s32 $0xFFFFF000  }
0x122: {  	_ =	swait.ge [sflag:s3], $0x1000  }
0x123: {  	[sflag:s3] =	ssyncset.done $0x0  }
0x124: {  	[sflag:s3] =	ssyncadd.s32 $0xFFFFF000  }
0x125: {  	_ =	swait.ge [sflag:s3], $0x1000  }
0x126: {  	[sflag:s3] =	ssyncset.done $0x0  }
0x127: {  	[sflag:s3] =	ssyncadd.s32 $0xFFFFF000  }
0x128: {  	_ =	swait.ge [sflag:s3], $0x1000  }
0x129: {  	[sflag:s3] =	ssyncset.done $0x0  }
0x12a: {  	[sflag:s3] =	ssyncadd.s32 $0xFFFFF000  }
0x12b: {  	_ =	swait.ge [sflag:s3], $0x1000  }
0x12c: {  	[sflag:s3] =	ssyncset.done $0x0  }
0x12d: {  	[sflag:s3] =	ssyncadd.s32 $0xFFFFF000  }
0x12e: {  	s6 =	sshll.u32 s17, $0x2;
	_ =	swait.ge [sflag:s3], $0x1000  }
0x12f: {  	v11 =	vor.u32 s6, v0;
	[sflag:s3] =	ssyncset.done $0x0  }
0x130: {  	[sflag:s3] =	ssyncadd.s32 $0xFFFFF000  }
0x131: {  	_ =	swait.ge [sflag:s3], $0x1000  }
0x132: {  	[sflag:s3] =	ssyncset.done $0x0  }
0x133: {  	[sflag:s3] =	ssyncadd.s32 $0xFFFFF000  }
0x134: {  	v12 =	vld.idx.msk [tilespmem:v11+s4+$0x0], $0xffff  }
0x135: {  	v13 =	vld.idx.msk [tilespmem:v11+s12+$0x0], $0xffff;
	_ =	sdelay $0x3  }
0x136: {  	s2 =	sshll.u32 s2, $0xE;
	v12 =	vadd.s32 $0xFFFFFFFF, v12  }
0x137: {  	v14 =	vor.u32 s2, v1;
	v13 =	vadd.s32 $0xFFFFFFFF, v13;
	v12 =	vand.u32 $0x7F, v12  }
0x138: {  	v13 =	vand.u32 $0x7F, v13;
	v15 =	vor.u32 v14, v12  }
0x139: {  	v16 =	vor.u32 s2, v2;
	v14 =	vor.u32 v14, v13  }
0x13a: {  	v17 =	vor.u32 v16, v12  }
0x13b: {  	v18 =	vor.u32 s2, v3;
	v16 =	vor.u32 v16, v13  }
0x13c: {  	v19 =	vor.u32 v18, v12  }
0x13d: {  	v20 =	vor.u32 s2, v4;
	v18 =	vor.u32 v18, v13;
	v15 =	vld.idx.msk [tilespmem:v15+s10+$0x0], $0xffff  }
0x13e: {  	v21 =	vor.u32 v20, v12;
	v14 =	vld.idx.msk [tilespmem:v14+s14+$0x0], $0xffff  }
0x13f: {  	v22 =	vor.u32 s2, v5;
	v20 =	vor.u32 v20, v13;
	v17 =	vld.idx.msk [tilespmem:v17+s10+$0x0], $0xffff  }
0x140: {  	v23 =	vor.u32 v22, v12;
	v16 =	vld.idx.msk [tilespmem:v16+s14+$0x0], $0xffff  }
0x141: {  	v24 =	vor.u32 s2, v7;
	v22 =	vor.u32 v22, v13;
	v19 =	vld.idx.msk [tilespmem:v19+s10+$0x0], $0xffff  }
0x142: {  	v51 =	vor.u32 v24, v12;
	v50 =	vld.idx.msk [tilespmem:v18+s14+$0x0], $0xffff  }
0x143: {  	v25 =	vor.u32 s2, v8;
	v24 =	vor.u32 v24, v13;
	v21 =	vld.idx.msk [tilespmem:v21+s10+$0x0], $0xffff;
	v14 =	vmul.f32 v14, v15  }
0x144: {  	v54 =	vor.u32 s2, v9;
	v26 =	vor.u32 v25, v12;
	v20 =	vld.idx.msk [tilespmem:v20+s14+$0x0], $0xffff  }
0x145: {  	v53 =	vor.u32 v25, v13;
	v52 =	vld.idx.msk [tilespmem:v23+s10+$0x0], $0xffff;
	v16 =	vmul.f32 v16, v17;
	v14 =	vadd.f32 $0.0e+00, v14  }
0x146: {  	v12 =	vor.u32 v54, v12;
	v22 =	vld.idx.msk [tilespmem:v22+s14+$0x0], $0xffff  }
0x147: {  	v13 =	vor.u32 v54, v13;
	v55 =	vld.idx.msk [tilespmem:v51+s10+$0x0], $0xffff;
	v15 =	vmul.f32 v50, v19;
	v14 =	vadd.f32 v16, v14  }
0x148: {  	v56 =	vld.idx.msk [tilespmem:v24+s14+$0x0], $0xffff  }
0x149: {  	v58 =	vld.idx.msk [tilespmem:v26+s10+$0x0], $0xffff;
	v57 =	vmul.f32 v20, v21;
	v14 =	vadd.f32 v15, v14  }
0x14a: {  	v59 =	vld.idx.msk [tilespmem:v53+s14+$0x0], $0xffff  }
0x14b: {  	v12 =	vld.idx.msk [tilespmem:v12+s10+$0x0], $0xffff;
	v60 =	vmul.f32 v22, v52;
	v14 =	vadd.f32 v57, v14  }
0x14c: {  	v13 =	vld.idx.msk [tilespmem:v13+s14+$0x0], $0xffff  }
0x14d: {  	v61 =	vmul.f32 v56, v55;
	v14 =	vadd.f32 v60, v14;
	_ =	sdelay $0x1  }
0x14e: {  	v62 =	vmul.f32 v59, v58;
	v14 =	vadd.f32 v61, v14;
	_ =	sdelay $0x1  }
0x14f: {  	v12 =	vmul.f32 v13, v12;
	v14 =	vadd.f32 v62, v14;
	_ =	sdelay $0x1  }
0x150: {  	v12 =	vadd.f32 v12, v14;
	_ =	sdelay $0x1  }
0x151: {  	v63 =	vperm.xlane v12, v6;
	_ =	sdelay $0x1  }
0x152: {  	s17 =	sadd.s32 $0x1, s17;
	v12 =	vadd.f32 v12, v63  }
0x153: {  	p0 =	sne.s32 s17, $0x80  }
.Ltmp6:
0x154: {  	v13 =	vperm.xlane v12, v10;
	(pc) =	sbr.rel @!p0 .LBB2_13-.Ltmp6, $4  }
0x155: {  	_ = 	snop  }
0x156: {  	v12 =	vadd.f32 v12, v13  }
0x157: {  	s18 =	sadd.s32 $0x4000, s18;
	s19 =	sadd.s32 $0x1, s19  }
0x158: {  	s20 =	sadd.s32 $0x4000, s20;
	s21 =	sadd.s32 $0x4, s21;
	s22 =	sadd.s32 $0x4, s22;
	[tilespmem:v11+s15+$0x0] =	vst.idx.msk vm0, v12  }
.LBB2_8:
0x159: {  	p0 =	sgt.u32 s17, $0x7D  }
.Ltmp7:
0x15a: {  	_ = 	snop;
	(pc) =	sbr.rel @p0 .LBB2_12-.Ltmp7, $1  }
0x15b: {  	_ =	sdelay $0x3  }
0x15c: {  	s3 =	smulhi.u32 $0xAAAAAAAB, s19;
	s23 =	sadd.s32 $0x2, s17  }
0x15d: {  	s24 =	smul.u32 $0xAB, s23  }
0x15e: {  	s3 =	sshrl.u32 s3, $0x1  }
0x15f: {  	s24 =	sshrl.u32 s24, $0x9;
	s3 =	smul.u32 $0xFFFD0000, s3  }
0x160: {  	s24 =	sand.u32 $0x7F, s24  }
0x161: {  	s24 =	smul.u32 $0x3, s24;
	s3 =	sshra.s32 s3, $0x2  }
0x162: {  	s31 =	sld [smem:s22+$0x0];
	s25 =	sadd.s32 s3, s20  }
0x163: {  	s24 =	ssub.s32 s23, s24;
	s23 =	sadd.s32 s3, s18;
	s3 =	sld [smem:s21+$0x0]  }
0x164: {  	s30 =	simm.s32 $0x0;
	s26 =	simm.s32 $0x4000;
	s24 =	sand.u32 $0xFF, s24  }
0x165: {  	s28 =	smov.u32 s21;
	s29 =	smov.u32 s22;
	s24 =	sadd.s32 $0x1, s24  }
.LBB2_10:
0x166: {  	p0 =	sne.s32 s26, $0xC000;
	s3 =	sadd.s32 $0xFFFFFFFF, s3  }
0x167: {  	s31 =	sadd.s32 $0xFFFFFFFF, s31;
	s28 =	sadd.s32 $0x1, s28;
	s2 =	sshra.s32 s3, $0x1F  }
0x168: {  	s29 =	sadd.s32 $0x1, s29;
	s9 =	sshra.s32 s31, $0x1F;
	s2 =	sshrl.u32 s2, $0x19  }
0x169: {  	s30 =	sshra.s32 s30, $0x2;
	s2 =	sadd.s32 s2, s3;
	s3 =	sshrl.u32 s9, $0x19  }
0x16a: {  	s9 =	sadd.s32 s30, s25;
	s2 =	sand.u32 $0xFFFFF80, s2;
	s3 =	sadd.s32 s3, s31  }
0x16b: {  	s31 =	sld [smem:s29+$0x0]  }
.Ltmp8:
0x16c: {  	s2 =	sadd.s32 s0, s2;
	s6 =	sand.u32 $0xFFFFF80, s3;
	(pc) =	sbr.rel @p0 .LBB2_10-.Ltmp8, $4  }
0x16d: {  	[tilespmem:s9], [sflag:s24] =	stream.strided.gather [hbm4b:s2+s10], $0x1000, s13, s10, $0x38;
	[tilespmem:$0x18600] =	vst v63  }
0x16e: {  	s2 =	sadd.s32 s30, s23;
	s6 =	sadd.s32 s1, s6;
	s3 =	sld [smem:s28+$0x0]  }
0x16f: {  	[tilespmem:s2], [sflag:s24] =	stream.strided.gather [hbm4b:s6+s10], $0x1000, s13, s10, $0x38;
	[tilespmem:$0x18600] =	vst v63  }
0x170: {  	s30 =	smov.u32 s26;
	s26 =	sadd.s32 $0x4000, s26  }
0x171: {  	s2 =	sadd.s32 $0xFFFFFFFF, s3  }
0x172: {  	s6 =	sadd.s32 $0xFFFFFFFF, s31;
	s3 =	sshra.s32 s2, $0x1F  }
0x173: {  	s9 =	sshra.s32 s6, $0x1F;
	s3 =	sshrl.u32 s3, $0x19  }
0x174: {  	s29 =	sshra.s32 s30, $0x2;
	s28 =	sshrl.u32 s9, $0x19;
	s2 =	sadd.s32 s3, s2  }
.Ltmp9:
0x175: {  	s3 =	sadd.s32 s28, s6;
	s2 =	sand.u32 $0xFFFFF80, s2;
	(pc) =	sbr.rel .LBB2_12-.Ltmp9, $4  }
0x176: {  	s30 =	sadd.s32 s29, s25;
	s3 =	sand.u32 $0xFFFFF80, s3;
	s2 =	sadd.s32 s0, s2  }
0x177: {  	[tilespmem:s30], [sflag:s24] =	stream.strided.gather [hbm4b:s2+s10], $0x1000, s13, s10, $0x38;
	[tilespmem:$0x18600] =	vst v63  }
0x178: {  	s31 =	sadd.s32 s29, s23;
	s3 =	sadd.s32 s1, s3  }
0x179: {  	[tilespmem:s31], [sflag:s24] =	stream.strided.gather [hbm4b:s3+s10], $0x1000, s13, s10, $0x38;
	[tilespmem:$0x18600] =	vst v63  }
.LBB2_14:
0x17a: {  	_ =	sfence.sel $0x180000  }
0x17b: {  	[bflag:$0x0] =	sbarrier.arrive $0xFFFF  }
0x17c: {  	_ =	strace $0x90000047  }
0x17d: {  	s0 =	stileid.u32;
	[bflag:$0x2] =	sbarrier.arrive $0xFFFF  }
0x17e: {  	p0 =	sne.s32 s0, $0x0;
	s0 =	rddreg [dreg:$0x4]  }
0x17f: {  	s0 =	sadd.s32 @!p0 $0x100000, s0  }
0x180: {  	[sflag:s0] =	ssyncadd.tile.s32 @!p0 $0x1;
	_ =	shalt  }
.Lfunc_end2:
_tile_overlayer_lowered:
.L_overlay_start_2:
0x181: {  	(tag) =	ssettag $0x2  }
0x182: {  	s0 =	rddreg [dreg:$0x0];
	s2 =	stileid.u32  }
0x183: {  	s1 =	rddreg [dreg:$0x1];
	p0 =	sne.s32 s2, $0x0  }
0x184: {  	s3 =	rddreg [dreg:$0x2];
	[bflag:$0x3] =	sbarrier.arrive $0xFFFF;
	s2 =	simm.s32 @!p0 $0x1C04  }
0x185: {  	[timem:s3], [sflag:s2] =	dma.local @!p0 [hbm:s0], s1  }
0x186: {  	s0 =	simm.s32 @!p0 $0x4  }
0x187: {  	_ =	swait.ge @!p0 [sflag:s0], s1  }
0x188: {  	s1 =	ssub.s32 @!p0 $0x0, s1;
	[sflag:s0] =	ssyncset.done @!p0 $0x0  }
0x189: {  	[sflag:s0] =	ssyncadd.s32 @!p0 s1  }
0x18a: {  	[bflag:$0x3] =	sbarrier.arrive $0xFFFF  }
0x18b: {  	_ =	shalt  }

</sc_bundles>
